<compile_context>
chip_gen: v7x
topology: tpu7x:2x2x1
jax: 0.10.2.dev20260603
libtpu: 0.0.44.dev20260713+nightly
codegen_flags: <defaults>
</compile_context>

<pallas_src>
import functools

import jax
import jax.numpy as jnp
from jax import lax
from jax.experimental import pallas as pl
from jax.experimental.pallas import tpu as pltpu
from jax.experimental.pallas import tpu_sc as plsc

_EPS = 1e-10
_CUTPER = 0.2

_NC = 2
_NS = 16
_NW = _NC * _NS
_R = 128


def _reduce_block(blk, idxv, W):
    R, H, _ = blk.shape
    w_t = idxv % W
    h_t = idxv // W
    lane = jax.lax.broadcasted_iota(jnp.int32, (R, 1, W), 2)
    mw = lane == w_t[:, None, None]
    wsum = jnp.sum(blk, axis=2)
    tv = jnp.sum(jnp.where(mw, blk, 0.0), axis=2)
    hh = jax.lax.broadcasted_iota(jnp.int32, (R, H), 1)
    mh = hh == h_t[:, None]
    return jnp.sum(wsum, axis=1), jnp.sum(jnp.where(mh, tv, 0.0), axis=1)


def _rows_dma_body(idx_ref, rm_any, sum_ref, val_ref,
                   *scratch, W, S, R3, NBUF, NG):
    g = pl.program_id(0)
    bufs = scratch[:NBUF]
    sems = scratch[NBUF:]

    def issue(bid, t):
        pltpu.make_async_copy(rm_any.at[pl.ds(bid * R3, R3)],
                              bufs[t], sems[t]).start()

    @pl.when(g == 0)
    def _prologue():
        for t in range(NBUF):
            issue(t, t)

    for t in range(NBUF):
        pltpu.make_async_copy(rm_any.at[pl.ds(0, R3)],
                              bufs[t], sems[t]).wait()
        idxv = idx_ref[0, 0, pl.ds(t * R3, R3)]
        ssum, sval = _reduce_block(bufs[t][...], idxv, W)
        sum_ref[0, 0, pl.ds(t * R3, R3)] = ssum
        val_ref[0, 0, pl.ds(t * R3, R3)] = sval

        @pl.when(g + 1 < NG)
        def _refill():
            issue((g + 1) * NBUF + t, t)


def _sc_gather_body(bnd_ref, idx_ref, out_ref, idx_v, gidx_v, out_v, sem,
                    *, S, HW, PW):
    wid = lax.axis_index("s") * _NC + lax.axis_index("c")
    base = wid * PW
    pltpu.sync_copy(idx_ref.at[pl.ds(base, PW)], idx_v)
    off = (base // S) * HW
    for j in range(PW // 16):
        gidx_v[pl.ds(j * 16, 16)] = idx_v[pl.ds(j * 16, 16)] + off
    pltpu.async_copy(bnd_ref.at[gidx_v], out_v, sem).wait()
    pltpu.sync_copy(out_v, out_ref.at[pl.ds(base, PW)])


def _loss_body(sr_ref, vr_ref, br_ref, sc_ref, vc_ref, bc_ref, out_ref, *, k):
    x_row = br_ref[...] * -jnp.log(_EPS + vr_ref[...] / sr_ref[...])
    x_col = bc_ref[...] * -jnp.log(_EPS + vc_ref[...] / sc_ref[...])
    le = (x_row <= x_col).astype(jnp.float32)
    cnt = jnp.sum(le, axis=1, keepdims=True)
    elig = cnt >= jnp.float32(k + 1)
    thr = jnp.min(jnp.where(elig, x_col, jnp.inf), keepdims=True)
    m = x_row > thr
    numer = jnp.sum(jnp.where(m, x_row, 0.0), axis=1, keepdims=True)
    denom = 1.0 + jnp.sum(jnp.where(m, br_ref[...], 0.0), axis=1, keepdims=True)
    out_ref[...] = numer / denom


def kernel(response_map, source_feature_1d_locations, boundaries):
    B, S, H, W = response_map.shape
    HW = H * W
    N = B * S
    R = _R
    NSB = S // R
    PW = N // _NW

    idx_i32 = source_feature_1d_locations.astype(jnp.int32)

    NBUF = 4
    R3 = 64
    GROUP = NBUF * R3
    NH = N // 2
    NGH = NH // GROUP

    def rows_call(rm3, idx3, n_rows, w):
        ng = n_rows // GROUP
        h2, w2 = rm3.shape[1], rm3.shape[2]
        return pl.pallas_call(
            functools.partial(_rows_dma_body, W=w, S=S, R3=R3, NBUF=NBUF,
                              NG=ng),
            grid=(ng,),
            in_specs=[
                pl.BlockSpec((1, 1, GROUP), lambda g: (g, 0, 0)),
                pl.BlockSpec(memory_space=pl.ANY),
            ],
            out_specs=[
                pl.BlockSpec((1, 1, GROUP), lambda g: (g, 0, 0)),
                pl.BlockSpec((1, 1, GROUP), lambda g: (g, 0, 0)),
            ],
            out_shape=[
                jax.ShapeDtypeStruct((ng, 1, GROUP), jnp.float32),
                jax.ShapeDtypeStruct((ng, 1, GROUP), jnp.float32),
            ],
            scratch_shapes=(
                [pltpu.VMEM((R3, h2, w2), jnp.float32) for _ in range(NBUF)]
                + [pltpu.SemaphoreType.DMA for _ in range(NBUF)]),
            compiler_params=pltpu.CompilerParams(
                vmem_limit_bytes=100 * 1024 * 1024),
        )(idx3, rm3)

    rm_head = response_map.reshape(N, H, W)
    sums_h, vals_h = rows_call(
        rm_head, idx_i32.reshape(N)[:NH].reshape(NGH, 1, GROUP), NH, W)

    rm_tail = response_map[B // 2:].reshape((N - NH), HW // 128, 128)
    sums_t, vals_t = rows_call(
        rm_tail, idx_i32.reshape(N)[NH:].reshape(NGH, 1, GROUP), N - NH, 128)

    sums = jnp.concatenate([sums_h.reshape(-1), sums_t.reshape(-1)])
    vals = jnp.concatenate([vals_h.reshape(-1), vals_t.reshape(-1)])

    sb_flat = pl.kernel(
        functools.partial(_sc_gather_body, S=S, HW=HW, PW=PW),
        out_type=jax.ShapeDtypeStruct((N,), jnp.float32),
        mesh=plsc.VectorSubcoreMesh(core_axis_name="c", subcore_axis_name="s",
                                    num_cores=_NC, num_subcores=_NS),
        scratch_types=[
            pltpu.VMEM((PW,), jnp.int32),
            pltpu.VMEM((PW,), jnp.int32),
            pltpu.VMEM((PW,), jnp.float32),
            pltpu.SemaphoreType.DMA,
        ],
    )(boundaries.reshape(B * HW), idx_i32.reshape(N))

    k = int(N * _CUTPER)
    sr = sums.reshape(1, N)
    vr = vals.reshape(1, N)
    br = sb_flat.reshape(1, N)

    loss = pl.pallas_call(
        functools.partial(_loss_body, k=k),
        out_shape=jax.ShapeDtypeStruct((1, 1), jnp.float32),
    )(sr, vr, br, sr.reshape(N, 1), vr.reshape(N, 1), br.reshape(N, 1))

    return loss.reshape(())

# --- scband reference (transcript-rebuilt; emitter-appended) ---
"""Pipeline reference for scband-rmsrloss-53498112639195 (READ-ONLY COPY).

The authoritative reference and input builder live on the scoring server;
editing this copy changes nothing except your own understanding.
"""

import jax, jax.numpy as jnp
import numpy as np

EPS = 1e-10
CUTPER = 0.2


def setup_inputs(seed: int = 0) -> dict:
    key = jax.random.key(seed)
    k1, k2, k3 = jax.random.split(key, 3)
    B, S, H, W = 8, 256, 128, 160
    response_map = jax.random.uniform(k1, (B, S, H, W), dtype=jnp.float32)
    source_feature_1d_locations = jax.random.randint(k2, (B, S), 0, H * W, dtype=jnp.int64)
    boundaries = jax.random.uniform(k3, (B, 1, H, W), dtype=jnp.float32)
    return {
        'response_map': response_map,
        'source_feature_1d_locations': source_feature_1d_locations,
        'boundaries': boundaries,
    }


def reference(response_map, source_feature_1d_locations, boundaries):
    B, S, H, W = response_map.shape
    rm = response_map / jnp.sum(response_map, axis=(2, 3), keepdims=True)
    rm_flat = rm.reshape(B, S, H * W)
    idx = source_feature_1d_locations.reshape(B, S, 1)
    sampled_cosine_distance = jnp.take_along_axis(rm_flat, idx, axis=2)
    b_flat = jnp.broadcast_to(boundaries.reshape(B, 1, H * W), (B, S, H * W))
    sampled_boundaries = jnp.take_along_axis(b_flat, idx, axis=2)
    list_loss = sampled_boundaries * -jnp.log(EPS + sampled_cosine_distance)
    k = int(list_loss.size * 0.2)
    sorted_loss = jnp.sort(list_loss.flatten())
    threshold = sorted_loss[k]
    mask = (list_loss > threshold).astype(jnp.float32)
    sampled_boundaries_sum = 1.0 + jnp.sum(mask * sampled_boundaries)
    loss = jnp.sum(mask * sampled_boundaries * -jnp.log(EPS + sampled_cosine_distance)) / sampled_boundaries_sum
    return loss

if __name__ == "__main__":
    import jax
    _d = setup_inputs()
    print(jax.jit(kernel)(*tuple(_d.values())))

</pallas_src>

<mosaic_0001>
#map = affine_map<(d0, d1) -> (0)>
module attributes {stable_mosaic.version = 14 : i64} {
  func.func @_sc_gather_body(%arg0: i32, %arg1: i32, %arg2: memref<163840xf32, #tpu.memory_space<hbm>>, %arg3: memref<2048xi32, #tpu.memory_space<hbm>>, %arg4: memref<2048xf32, #tpu.memory_space<hbm>>, %arg5: memref<64xi32, #tpu.memory_space<vmem>>, %arg6: memref<64xi32, #tpu.memory_space<vmem>>, %arg7: memref<64xf32, #tpu.memory_space<vmem>>, %arg8: memref<!tpu.dma_semaphore, #tpu.memory_space<semaphore_mem>>) attributes {dimension_semantics = [#tpu.dimension_semantics<core_parallel>, #tpu.dimension_semantics<subcore_parallel>], iteration_bounds = array<i64: 2, 16>, scalar_prefetch = 0 : i64, scratch_operands = 4 : i64, tpu.core_type = #tpu.core_type<sc_vector_subcore>, window_params = [{transform_indices = #map}, {transform_indices = #map}, {transform_indices = #map}]} {
    %mul3A = arith.constant 2 : i32
    %mul3A_0 = arith.muli %arg1, %mul3A : i32
    %add3A = arith.addi %mul3A_0, %arg0 : i32
    %mul3A_1 = arith.constant 64 : i32
    %mul3A_2 = arith.muli %add3A, %mul3A_1 : i32
    "tpu.region"() ({
      %run_scoped3A = tpu.sem_alloc : memref<!tpu.dma_semaphore, #tpu.memory_space<semaphore_mem>>
      %dma_start3A_57 = tpu.memref_slice %arg3[%mul3A_2] : memref<2048xi32, #tpu.memory_space<hbm>> -> memref<64xi32, #tpu.memory_space<hbm>>
      %dma_start3A_58 = tpu.memref_slice %arg3[%mul3A_2] : memref<2048xi32, #tpu.memory_space<hbm>> -> memref<64xi32, #tpu.memory_space<hbm>>
      tpu.enqueue_dma source(%dma_start3A_58 : memref<64xi32, #tpu.memory_space<hbm>>) target(%arg5 : memref<64xi32, #tpu.memory_space<vmem>>) target_semaphore(%run_scoped3A : memref<!tpu.dma_semaphore, #tpu.memory_space<semaphore_mem>>)
      %dma_wait3A_59 = tpu.memref_slice %arg3[%mul3A_2] : memref<2048xi32, #tpu.memory_space<hbm>> -> memref<64xi32, #tpu.memory_space<hbm>>
      %dma_wait3A_60 = tpu.memref_slice %arg3[%mul3A_2] : memref<2048xi32, #tpu.memory_space<hbm>> -> memref<64xi32, #tpu.memory_space<hbm>>
      tpu.wait_dma2 semaphore(%run_scoped3A : memref<!tpu.dma_semaphore, #tpu.memory_space<semaphore_mem>>) src(%dma_wait3A_60 : memref<64xi32, #tpu.memory_space<hbm>>) dst(%arg5 : memref<64xi32, #tpu.memory_space<vmem>>)
      tpu.yield
    }) : () -> ()
    %jit3A = arith.constant 256 : i32
    %div3A = arith.divsi %mul3A_2, %jit3A : i32
    %sign3A = arith.constant 0 : i32
    %sign3A_3 = arith.cmpi sgt, %mul3A_2, %sign3A : i32
    %sign3A_4 = arith.extui %sign3A_3 : i1 to i32
    %sign3A_5 = arith.constant 0 : i32
    %sign3A_6 = arith.cmpi slt, %mul3A_2, %sign3A_5 : i32
    %sign3A_7 = arith.extui %sign3A_6 : i1 to i32
    %sign3A_8 = arith.subi %sign3A_4, %sign3A_7 : i32
    %sign3A_9 = arith.constant 0 : i32
    %sign3A_10 = arith.cmpi sgt, %jit3A, %sign3A_9 : i32
    %sign3A_11 = arith.extui %sign3A_10 : i1 to i32
    %sign3A_12 = arith.constant 0 : i32
    %sign3A_13 = arith.cmpi slt, %jit3A, %sign3A_12 : i32
    %sign3A_14 = arith.extui %sign3A_13 : i1 to i32
    %sign3A_15 = arith.subi %sign3A_11, %sign3A_14 : i32
    %ne3A = arith.cmpi ne, %sign3A_8, %sign3A_15 : i32
    %rem3A = arith.remsi %mul3A_2, %jit3A : i32
    %ne3A_16 = arith.constant 0 : i32
    %ne3A_17 = arith.cmpi ne, %rem3A, %ne3A_16 : i32
    %and3A = arith.andi %ne3A, %ne3A_17 : i1
    %sub3A = arith.constant 1 : i32
    %sub3A_18 = arith.subi %div3A, %sub3A : i32
    %select_n3A = arith.select %and3A, %sub3A_18, %div3A : i32
    %mul3A_19 = arith.constant 20480 : i32
    %mul3A_20 = arith.muli %select_n3A, %mul3A_19 : i32
    %get3A = arith.constant 0 : index
    %get3A_21 = tpu.vector_load %arg5[%get3A] {strides = array<i32>} : memref<64xi32, #tpu.memory_space<vmem>>, vector<16xi32>,
    %get3A_22 = vector.shape_cast %get3A_21 : vector<16xi32> to vector<16xi32>
    %add3A_23 = vector.broadcast %mul3A_20 : i32 to vector<16xi32>
    %add3A_24 = arith.addi %get3A_22, %add3A_23 : vector<16xi32>
    %swap3A = arith.constant 0 : index
    %swap3A_25 = tpu.vector_load %arg6[%swap3A] {strides = array<i32>} : memref<64xi32, #tpu.memory_space<vmem>>, vector<16xi32>,
    %swap3A_26 = vector.shape_cast %swap3A_25 : vector<16xi32> to vector<16xi32>
    %swap3A_27 = vector.shape_cast %add3A_24 : vector<16xi32> to vector<16xi32>
    tpu.vector_store %arg6[%swap3A], %swap3A_27 {strides = array<i32>} : memref<64xi32, #tpu.memory_space<vmem>>, vector<16xi32>,
    %get3A_28 = arith.constant 16 : index
    %get3A_29 = tpu.vector_load %arg5[%get3A_28] {strides = array<i32>} : memref<64xi32, #tpu.memory_space<vmem>>, vector<16xi32>,
    %get3A_30 = vector.shape_cast %get3A_29 : vector<16xi32> to vector<16xi32>
    %add3A_31 = vector.broadcast %mul3A_20 : i32 to vector<16xi32>
    %add3A_32 = arith.addi %get3A_30, %add3A_31 : vector<16xi32>
    %swap3A_33 = arith.constant 16 : index
    %swap3A_34 = tpu.vector_load %arg6[%swap3A_33] {strides = array<i32>} : memref<64xi32, #tpu.memory_space<vmem>>, vector<16xi32>,
    %swap3A_35 = vector.shape_cast %swap3A_34 : vector<16xi32> to vector<16xi32>
    %swap3A_36 = vector.shape_cast %add3A_32 : vector<16xi32> to vector<16xi32>
    tpu.vector_store %arg6[%swap3A_33], %swap3A_36 {strides = array<i32>} : memref<64xi32, #tpu.memory_space<vmem>>, vector<16xi32>,
    %get3A_37 = arith.constant 32 : index
    %get3A_38 = tpu.vector_load %arg5[%get3A_37] {strides = array<i32>} : memref<64xi32, #tpu.memory_space<vmem>>, vector<16xi32>,
    %get3A_39 = vector.shape_cast %get3A_38 : vector<16xi32> to vector<16xi32>
    %add3A_40 = vector.broadcast %mul3A_20 : i32 to vector<16xi32>
    %add3A_41 = arith.addi %get3A_39, %add3A_40 : vector<16xi32>
    %swap3A_42 = arith.constant 32 : index
    %swap3A_43 = tpu.vector_load %arg6[%swap3A_42] {strides = array<i32>} : memref<64xi32, #tpu.memory_space<vmem>>, vector<16xi32>,
    %swap3A_44 = vector.shape_cast %swap3A_43 : vector<16xi32> to vector<16xi32>
    %swap3A_45 = vector.shape_cast %add3A_41 : vector<16xi32> to vector<16xi32>
    tpu.vector_store %arg6[%swap3A_42], %swap3A_45 {strides = array<i32>} : memref<64xi32, #tpu.memory_space<vmem>>, vector<16xi32>,
    %get3A_46 = arith.constant 48 : index
    %get3A_47 = tpu.vector_load %arg5[%get3A_46] {strides = array<i32>} : memref<64xi32, #tpu.memory_space<vmem>>, vector<16xi32>,
    %get3A_48 = vector.shape_cast %get3A_47 : vector<16xi32> to vector<16xi32>
    %add3A_49 = vector.broadcast %mul3A_20 : i32 to vector<16xi32>
    %add3A_50 = arith.addi %get3A_48, %add3A_49 : vector<16xi32>
    %swap3A_51 = arith.constant 48 : index
    %swap3A_52 = tpu.vector_load %arg6[%swap3A_51] {strides = array<i32>} : memref<64xi32, #tpu.memory_space<vmem>>, vector<16xi32>,
    %swap3A_53 = vector.shape_cast %swap3A_52 : vector<16xi32> to vector<16xi32>
    %swap3A_54 = vector.shape_cast %add3A_50 : vector<16xi32> to vector<16xi32>
    tpu.vector_store %arg6[%swap3A_51], %swap3A_54 {strides = array<i32>} : memref<64xi32, #tpu.memory_space<vmem>>, vector<16xi32>,
    %dma_start3A = arith.constant 0 : i32
    %dma_start3A_55 = tpu.memref_slice %arg2[%dma_start3A] : memref<163840xf32, #tpu.memory_space<hbm>> -> memref<163840xf32, #tpu.memory_space<hbm>>
    tpu.enqueue_indirect_dma source(%dma_start3A_55 : memref<163840xf32, #tpu.memory_space<hbm>>) target(%arg7 : memref<64xf32, #tpu.memory_space<vmem>>) offsets(%arg6 : memref<64xi32, #tpu.memory_space<vmem>>) semaphore(%arg8 : memref<!tpu.dma_semaphore, #tpu.memory_space<semaphore_mem>>)
    %dma_wait3A = arith.constant 0 : i32
    %dma_wait3A_56 = tpu.memref_slice %arg2[%dma_wait3A] : memref<163840xf32, #tpu.memory_space<hbm>> -> memref<163840xf32, #tpu.memory_space<hbm>>
    tpu.wait_indirect_dma semaphore(%arg8 : memref<!tpu.dma_semaphore, #tpu.memory_space<semaphore_mem>>) src(%dma_wait3A_56 : memref<163840xf32, #tpu.memory_space<hbm>>) dst(%arg7 : memref<64xf32, #tpu.memory_space<vmem>>)
    "tpu.region"() ({
      %run_scoped3A = tpu.sem_alloc : memref<!tpu.dma_semaphore, #tpu.memory_space<semaphore_mem>>
      %dma_start3A_57 = tpu.memref_slice %arg4[%mul3A_2] : memref<2048xf32, #tpu.memory_space<hbm>> -> memref<64xf32, #tpu.memory_space<hbm>>
      %dma_start3A_58 = tpu.memref_slice %arg4[%mul3A_2] : memref<2048xf32, #tpu.memory_space<hbm>> -> memref<64xf32, #tpu.memory_space<hbm>>
      tpu.enqueue_dma source(%arg7 : memref<64xf32, #tpu.memory_space<vmem>>) target(%dma_start3A_58 : memref<64xf32, #tpu.memory_space<hbm>>) target_semaphore(%run_scoped3A : memref<!tpu.dma_semaphore, #tpu.memory_space<semaphore_mem>>)
      %dma_wait3A_59 = tpu.memref_slice %arg4[%mul3A_2] : memref<2048xf32, #tpu.memory_space<hbm>> -> memref<64xf32, #tpu.memory_space<hbm>>
      %dma_wait3A_60 = tpu.memref_slice %arg4[%mul3A_2] : memref<2048xf32, #tpu.memory_space<hbm>> -> memref<64xf32, #tpu.memory_space<hbm>>
      tpu.wait_dma2 semaphore(%run_scoped3A : memref<!tpu.dma_semaphore, #tpu.memory_space<semaphore_mem>>) src(%arg7 : memref<64xf32, #tpu.memory_space<vmem>>) dst(%dma_wait3A_60 : memref<64xf32, #tpu.memory_space<hbm>>)
      tpu.yield
    }) : () -> ()
    return
  }
}

module attributes {stable_mosaic.version = 14 : i64} {
  func.func @_rows_dma_body(%arg0: i32, %arg1: memref<1x1x256xi32, #tpu.memory_space<vmem>>, %arg2: memref<2048x128x160xf32, #tpu.memory_space<any>>, %arg3: memref<1x1x256xf32, #tpu.memory_space<vmem>>, %arg4: memref<1x1x256xf32, #tpu.memory_space<vmem>>, %arg5: memref<64x128x160xf32, #tpu.memory_space<vmem>>, %arg6: memref<64x128x160xf32, #tpu.memory_space<vmem>>, %arg7: memref<64x128x160xf32, #tpu.memory_space<vmem>>, %arg8: memref<64x128x160xf32, #tpu.memory_space<vmem>>, %arg9: memref<!tpu.dma_semaphore, #tpu.memory_space<semaphore_mem>>, %arg10: memref<!tpu.dma_semaphore, #tpu.memory_space<semaphore_mem>>, %arg11: memref<!tpu.dma_semaphore, #tpu.memory_space<semaphore_mem>>, %arg12: memref<!tpu.dma_semaphore, #tpu.memory_space<semaphore_mem>>) attributes {dimension_semantics = [#tpu.dimension_semantics<arbitrary>], iteration_bounds = array<i64: 4>, scalar_prefetch = 0 : i64, scratch_operands = 8 : i64, tpu.core_type = #tpu.core_type<tc>, window_params = [{transform_indices = @transform_0, window_bounds = array<i64: 1, 1, 256>}, {}, {transform_indices = @transform_2, window_bounds = array<i64: 1, 1, 256>}, {transform_indices = @transform_3, window_bounds = array<i64: 1, 1, 256>}]} {
    %eq3A = arith.constant 0 : i32
    %eq3A_0 = arith.cmpi eq, %arg0, %eq3A : i32
    %convert_element_type3A = arith.extui %eq3A_0 : i1 to i32
    %cond3A = arith.constant 0 : i32
    %cond3A_1 = arith.cmpi ne, %convert_element_type3A, %cond3A : i32
    scf.if %cond3A_1 {
      %dma_start3A = arith.constant 0 : i32
      %dma_start3A_422 = arith.constant 0 : i32
      %dma_start3A_423 = arith.constant 0 : i32
      %dma_start3A_424 = tpu.memref_slice %arg2[%dma_start3A, %dma_start3A_422, %dma_start3A_423] : memref<2048x128x160xf32, #tpu.memory_space<any>> -> memref<64x128x160xf32, #tpu.memory_space<any>>
      tpu.enqueue_dma source(%dma_start3A_424 : memref<64x128x160xf32, #tpu.memory_space<any>>) target(%arg5 : memref<64x128x160xf32, #tpu.memory_space<vmem>>) target_semaphore(%arg9 : memref<!tpu.dma_semaphore, #tpu.memory_space<semaphore_mem>>)
      %dma_start3A_425 = arith.constant 64 : i32
      %dma_start3A_426 = arith.constant 0 : i32
      %dma_start3A_427 = arith.constant 0 : i32
      %dma_start3A_428 = tpu.memref_slice %arg2[%dma_start3A_425, %dma_start3A_426, %dma_start3A_427] : memref<2048x128x160xf32, #tpu.memory_space<any>> -> memref<64x128x160xf32, #tpu.memory_space<any>>
      tpu.enqueue_dma source(%dma_start3A_428 : memref<64x128x160xf32, #tpu.memory_space<any>>) target(%arg6 : memref<64x128x160xf32, #tpu.memory_space<vmem>>) target_semaphore(%arg10 : memref<!tpu.dma_semaphore, #tpu.memory_space<semaphore_mem>>)
      %dma_start3A_429 = arith.constant 128 : i32
      %dma_start3A_430 = arith.constant 0 : i32
      %dma_start3A_431 = arith.constant 0 : i32
      %dma_start3A_432 = tpu.memref_slice %arg2[%dma_start3A_429, %dma_start3A_430, %dma_start3A_431] : memref<2048x128x160xf32, #tpu.memory_space<any>> -> memref<64x128x160xf32, #tpu.memory_space<any>>
      tpu.enqueue_dma source(%dma_start3A_432 : memref<64x128x160xf32, #tpu.memory_space<any>>) target(%arg7 : memref<64x128x160xf32, #tpu.memory_space<vmem>>) target_semaphore(%arg11 : memref<!tpu.dma_semaphore, #tpu.memory_space<semaphore_mem>>)
      %dma_start3A_433 = arith.constant 192 : i32
      %dma_start3A_434 = arith.constant 0 : i32
      %dma_start3A_435 = arith.constant 0 : i32
      %dma_start3A_436 = tpu.memref_slice %arg2[%dma_start3A_433, %dma_start3A_434, %dma_start3A_435] : memref<2048x128x160xf32, #tpu.memory_space<any>> -> memref<64x128x160xf32, #tpu.memory_space<any>>
      tpu.enqueue_dma source(%dma_start3A_436 : memref<64x128x160xf32, #tpu.memory_space<any>>) target(%arg8 : memref<64x128x160xf32, #tpu.memory_space<vmem>>) target_semaphore(%arg12 : memref<!tpu.dma_semaphore, #tpu.memory_space<semaphore_mem>>)
    } else {
    }
    %dma_wait3A = arith.constant 0 : i32
    %dma_wait3A_2 = arith.constant 0 : i32
    %dma_wait3A_3 = arith.constant 0 : i32
    %dma_wait3A_4 = tpu.memref_slice %arg2[%dma_wait3A, %dma_wait3A_2, %dma_wait3A_3] : memref<2048x128x160xf32, #tpu.memory_space<any>> -> memref<64x128x160xf32, #tpu.memory_space<any>>
    tpu.wait_dma2 semaphore(%arg9 : memref<!tpu.dma_semaphore, #tpu.memory_space<semaphore_mem>>) src(%dma_wait3A_4 : memref<64x128x160xf32, #tpu.memory_space<any>>) dst(%arg5 : memref<64x128x160xf32, #tpu.memory_space<vmem>>)
    %get3A = arith.constant 0 : index
    %get3A_5 = arith.constant 0 : index
    %get3A_6 = arith.constant 0 : index
    %get3A_7 = vector.load %arg1[%get3A, %get3A_5, %get3A_6] : memref<1x1x256xi32, #tpu.memory_space<vmem>>, vector<1x1x64xi32>
    %get3A_8 = vector.shape_cast %get3A_7 : vector<1x1x64xi32> to vector<64xi32>
    %get3A_9 = arith.constant 0 : index
    %get3A_10 = arith.constant 0 : index
    %get3A_11 = arith.constant 0 : index
    %get3A_12 = vector.load %arg5[%get3A_9, %get3A_10, %get3A_11] : memref<64x128x160xf32, #tpu.memory_space<vmem>>, vector<64x128x160xf32>
    %jit3A = arith.constant 160 : i32
    %eq3A_13 = arith.constant 0 : i32
    %eq3A_14 = arith.cmpi eq, %jit3A, %eq3A_13 : i32
    %jit3A_15 = arith.constant 1 : i32
    %select_n3A = arith.select %eq3A_14, %jit3A_15, %jit3A : i32
    %rem3A = vector.broadcast %select_n3A : i32 to vector<64xi32>
    %rem3A_16 = arith.remsi %get3A_8, %rem3A : vector<64xi32>
    %ne3A = arith.constant 0 : i32
    %ne3A_17 = vector.broadcast %ne3A : i32 to vector<64xi32>
    %ne3A_18 = arith.cmpi ne, %rem3A_16, %ne3A_17 : vector<64xi32>
    %lt3A = arith.constant 0 : i32
    %lt3A_19 = vector.broadcast %lt3A : i32 to vector<64xi32>
    %lt3A_20 = arith.cmpi slt, %rem3A_16, %lt3A_19 : vector<64xi32>
    %lt3A_21 = arith.constant 0 : i32
    %lt3A_22 = arith.cmpi slt, %select_n3A, %lt3A_21 : i32
    %ne3A_23 = vector.broadcast %lt3A_22 : i1 to vector<64xi1>
    %ne3A_24 = vector.broadcast %ne3A_23 : vector<64xi1> to vector<64xi1>
    %ne3A_25 = arith.xori %lt3A_20, %ne3A_24 : vector<64xi1>
    %and3A = arith.andi %ne3A_25, %ne3A_18 : vector<64xi1>
    %add3A = vector.broadcast %select_n3A : i32 to vector<64xi32>
    %add3A_26 = arith.addi %rem3A_16, %add3A : vector<64xi32>
    %select_n3A_27 = arith.select %and3A, %add3A_26, %rem3A_16 : vector<64xi1>, vector<64xi32>
    %jit3A_28 = arith.constant 160 : i32
    %div3A = vector.broadcast %jit3A_28 : i32 to vector<64xi32>
    %div3A_29 = arith.divsi %get3A_8, %div3A : vector<64xi32>
    %sign3A = arith.constant 0 : i32
    %sign3A_30 = vector.broadcast %sign3A : i32 to vector<64xi32>
    %sign3A_31 = arith.cmpi sgt, %get3A_8, %sign3A_30 : vector<64xi32>
    %sign3A_32 = arith.extui %sign3A_31 : vector<64xi1> to vector<64xi32>
    %sign3A_33 = arith.constant 0 : i32
    %sign3A_34 = vector.broadcast %sign3A_33 : i32 to vector<64xi32>
    %sign3A_35 = arith.cmpi slt, %get3A_8, %sign3A_34 : vector<64xi32>
    %sign3A_36 = arith.extui %sign3A_35 : vector<64xi1> to vector<64xi32>
    %sign3A_37 = arith.subi %sign3A_32, %sign3A_36 : vector<64xi32>
    %sign3A_38 = arith.constant 0 : i32
    %sign3A_39 = arith.cmpi sgt, %jit3A_28, %sign3A_38 : i32
    %sign3A_40 = arith.extui %sign3A_39 : i1 to i32
    %sign3A_41 = arith.constant 0 : i32
    %sign3A_42 = arith.cmpi slt, %jit3A_28, %sign3A_41 : i32
    %sign3A_43 = arith.extui %sign3A_42 : i1 to i32
    %sign3A_44 = arith.subi %sign3A_40, %sign3A_43 : i32
    %ne3A_45 = vector.broadcast %sign3A_44 : i32 to vector<64xi32>
    %ne3A_46 = arith.cmpi ne, %sign3A_37, %ne3A_45 : vector<64xi32>
    %rem3A_47 = vector.broadcast %jit3A_28 : i32 to vector<64xi32>
    %rem3A_48 = arith.remsi %get3A_8, %rem3A_47 : vector<64xi32>
    %ne3A_49 = arith.constant 0 : i32
    %ne3A_50 = vector.broadcast %ne3A_49 : i32 to vector<64xi32>
    %ne3A_51 = arith.cmpi ne, %rem3A_48, %ne3A_50 : vector<64xi32>
    %and3A_52 = arith.andi %ne3A_46, %ne3A_51 : vector<64xi1>
    %sub3A = arith.constant 1 : i32
    %sub3A_53 = vector.broadcast %sub3A : i32 to vector<64xi32>
    %sub3A_54 = arith.subi %div3A_29, %sub3A_53 : vector<64xi32>
    %select_n3A_55 = arith.select %and3A_52, %sub3A_54, %div3A_29 : vector<64xi1>, vector<64xi32>
    %iota3A = tpu.iota {dimensions = array<i32: 2>} : vector<64x1x160xi32>
    %broadcast_in_dim3A = vector.shape_cast %select_n3A_27 : vector<64xi32> to vector<64x1x1xi32>
    %eq3A_56 = vector.broadcast %broadcast_in_dim3A : vector<64x1x1xi32> to vector<64x1x160xi32>
    %eq3A_57 = arith.cmpi eq, %iota3A, %eq3A_56 : vector<64x1x160xi32>
    %reduce_sum3A = arith.constant dense<0.000000e+00> : vector<64x128xf32>
    %reduce_sum3A_58 = vector.multi_reduction <add>, %get3A_12, %reduce_sum3A [2] : vector<64x128x160xf32> to vector<64x128xf32>
    %jit3A_59 = arith.constant 0.000000e+00 : f32
    %broadcast_in_dim3A_60 = vector.shape_cast %eq3A_57 : vector<64x1x160xi1> to vector<64x1x160xi1>
    %broadcast_in_dim3A_61 = vector.broadcast %broadcast_in_dim3A_60 : vector<64x1x160xi1> to vector<64x128x160xi1>
    %broadcast_in_dim3A_62 = vector.broadcast %jit3A_59 : f32 to vector<64x128x160xf32>
    %select_n3A_63 = arith.select %broadcast_in_dim3A_61, %get3A_12, %broadcast_in_dim3A_62 : vector<64x128x160xi1>, vector<64x128x160xf32>
    %reduce_sum3A_64 = arith.constant dense<0.000000e+00> : vector<64x128xf32>
    %reduce_sum3A_65 = vector.multi_reduction <add>, %select_n3A_63, %reduce_sum3A_64 [2] : vector<64x128x160xf32> to vector<64x128xf32>
    %iota3A_66 = tpu.iota {dimensions = array<i32: 1>} : vector<64x128xi32>
    %broadcast_in_dim3A_67 = vector.shape_cast %select_n3A_55 : vector<64xi32> to vector<64x1xi32>
    %eq3A_68 = vector.broadcast %broadcast_in_dim3A_67 : vector<64x1xi32> to vector<64x128xi32>
    %eq3A_69 = arith.cmpi eq, %iota3A_66, %eq3A_68 : vector<64x128xi32>
    %reduce_sum3A_70 = arith.constant dense<0.000000e+00> : vector<64xf32>
    %reduce_sum3A_71 = vector.multi_reduction <add>, %reduce_sum3A_58, %reduce_sum3A_70 [1] : vector<64x128xf32> to vector<64xf32>
    %jit3A_72 = arith.constant 0.000000e+00 : f32
    %broadcast_in_dim3A_73 = vector.broadcast %jit3A_72 : f32 to vector<64x128xf32>
    %select_n3A_74 = arith.select %eq3A_69, %reduce_sum3A_65, %broadcast_in_dim3A_73 : vector<64x128xi1>, vector<64x128xf32>
    %reduce_sum3A_75 = arith.constant dense<0.000000e+00> : vector<64xf32>
    %reduce_sum3A_76 = vector.multi_reduction <add>, %select_n3A_74, %reduce_sum3A_75 [1] : vector<64x128xf32> to vector<64xf32>
    %swap3A = arith.constant 0 : index
    %swap3A_77 = arith.constant 0 : index
    %swap3A_78 = arith.constant 0 : index
    %swap3A_79 = vector.load %arg3[%swap3A, %swap3A_77, %swap3A_78] : memref<1x1x256xf32, #tpu.memory_space<vmem>>, vector<1x1x64xf32>
    %swap3A_80 = vector.shape_cast %swap3A_79 : vector<1x1x64xf32> to vector<64xf32>
    %swap3A_81 = vector.shape_cast %reduce_sum3A_71 : vector<64xf32> to vector<1x1x64xf32>
    tpu.vector_store %arg3[%swap3A, %swap3A_77, %swap3A_78], %swap3A_81 {strides = array<i32>} : memref<1x1x256xf32, #tpu.memory_space<vmem>>, vector<1x1x64xf32>,
    %swap3A_82 = arith.constant 0 : index
    %swap3A_83 = arith.constant 0 : index
    %swap3A_84 = arith.constant 0 : index
    %swap3A_85 = vector.load %arg4[%swap3A_82, %swap3A_83, %swap3A_84] : memref<1x1x256xf32, #tpu.memory_space<vmem>>, vector<1x1x64xf32>
    %swap3A_86 = vector.shape_cast %swap3A_85 : vector<1x1x64xf32> to vector<64xf32>
    %swap3A_87 = vector.shape_cast %reduce_sum3A_76 : vector<64xf32> to vector<1x1x64xf32>
    tpu.vector_store %arg4[%swap3A_82, %swap3A_83, %swap3A_84], %swap3A_87 {strides = array<i32>} : memref<1x1x256xf32, #tpu.memory_space<vmem>>, vector<1x1x64xf32>,
    %add3A_88 = arith.constant 1 : i32
    %add3A_89 = arith.addi %arg0, %add3A_88 : i32
    %lt3A_90 = arith.constant 4 : i32
    %lt3A_91 = arith.cmpi slt, %add3A_89, %lt3A_90 : i32
    %convert_element_type3A_92 = arith.extui %lt3A_91 : i1 to i32
    %cond3A_93 = arith.constant 0 : i32
    %cond3A_94 = arith.cmpi ne, %convert_element_type3A_92, %cond3A_93 : i32
    scf.if %cond3A_94 {
      %add3A_422 = arith.constant 1 : i32
      %add3A_423 = arith.addi %arg0, %add3A_422 : i32
      %mul3A = arith.constant 4 : i32
      %mul3A_424 = arith.muli %add3A_423, %mul3A : i32
      %add3A_425 = arith.constant 0 : i32
      %add3A_426 = arith.addi %mul3A_424, %add3A_425 : i32
      %mul3A_427 = arith.constant 64 : i32
      %mul3A_428 = arith.muli %add3A_426, %mul3A_427 : i32
      %dma_start3A = arith.constant 0 : i32
      %dma_start3A_429 = arith.constant 0 : i32
      %dma_start3A_430 = tpu.memref_slice %arg2[%mul3A_428, %dma_start3A, %dma_start3A_429] : memref<2048x128x160xf32, #tpu.memory_space<any>> -> memref<64x128x160xf32, #tpu.memory_space<any>>
      tpu.enqueue_dma source(%dma_start3A_430 : memref<64x128x160xf32, #tpu.memory_space<any>>) target(%arg5 : memref<64x128x160xf32, #tpu.memory_space<vmem>>) target_semaphore(%arg9 : memref<!tpu.dma_semaphore, #tpu.memory_space<semaphore_mem>>)
    } else {
    }
    %dma_wait3A_95 = arith.constant 0 : i32
    %dma_wait3A_96 = arith.constant 0 : i32
    %dma_wait3A_97 = arith.constant 0 : i32
    %dma_wait3A_98 = tpu.memref_slice %arg2[%dma_wait3A_95, %dma_wait3A_96, %dma_wait3A_97] : memref<2048x128x160xf32, #tpu.memory_space<any>> -> memref<64x128x160xf32, #tpu.memory_space<any>>
    tpu.wait_dma2 semaphore(%arg10 : memref<!tpu.dma_semaphore, #tpu.memory_space<semaphore_mem>>) src(%dma_wait3A_98 : memref<64x128x160xf32, #tpu.memory_space<any>>) dst(%arg6 : memref<64x128x160xf32, #tpu.memory_space<vmem>>)
    %get3A_99 = arith.constant 0 : index
    %get3A_100 = arith.constant 0 : index
    %get3A_101 = arith.constant 64 : index
    %get3A_102 = vector.load %arg1[%get3A_99, %get3A_100, %get3A_101] : memref<1x1x256xi32, #tpu.memory_space<vmem>>, vector<1x1x64xi32>
    %get3A_103 = vector.shape_cast %get3A_102 : vector<1x1x64xi32> to vector<64xi32>
    %get3A_104 = arith.constant 0 : index
    %get3A_105 = arith.constant 0 : index
    %get3A_106 = arith.constant 0 : index
    %get3A_107 = vector.load %arg6[%get3A_104, %get3A_105, %get3A_106] : memref<64x128x160xf32, #tpu.memory_space<vmem>>, vector<64x128x160xf32>
    %jit3A_108 = arith.constant 160 : i32
    %eq3A_109 = arith.constant 0 : i32
    %eq3A_110 = arith.cmpi eq, %jit3A_108, %eq3A_109 : i32
    %jit3A_111 = arith.constant 1 : i32
    %select_n3A_112 = arith.select %eq3A_110, %jit3A_111, %jit3A_108 : i32
    %rem3A_113 = vector.broadcast %select_n3A_112 : i32 to vector<64xi32>
    %rem3A_114 = arith.remsi %get3A_103, %rem3A_113 : vector<64xi32>
    %ne3A_115 = arith.constant 0 : i32
    %ne3A_116 = vector.broadcast %ne3A_115 : i32 to vector<64xi32>
    %ne3A_117 = arith.cmpi ne, %rem3A_114, %ne3A_116 : vector<64xi32>
    %lt3A_118 = arith.constant 0 : i32
    %lt3A_119 = vector.broadcast %lt3A_118 : i32 to vector<64xi32>
    %lt3A_120 = arith.cmpi slt, %rem3A_114, %lt3A_119 : vector<64xi32>
    %lt3A_121 = arith.constant 0 : i32
    %lt3A_122 = arith.cmpi slt, %select_n3A_112, %lt3A_121 : i32
    %ne3A_123 = vector.broadcast %lt3A_122 : i1 to vector<64xi1>
    %ne3A_124 = vector.broadcast %ne3A_123 : vector<64xi1> to vector<64xi1>
    %ne3A_125 = arith.xori %lt3A_120, %ne3A_124 : vector<64xi1>
    %and3A_126 = arith.andi %ne3A_125, %ne3A_117 : vector<64xi1>
    %add3A_127 = vector.broadcast %select_n3A_112 : i32 to vector<64xi32>
    %add3A_128 = arith.addi %rem3A_114, %add3A_127 : vector<64xi32>
    %select_n3A_129 = arith.select %and3A_126, %add3A_128, %rem3A_114 : vector<64xi1>, vector<64xi32>
    %jit3A_130 = arith.constant 160 : i32
    %div3A_131 = vector.broadcast %jit3A_130 : i32 to vector<64xi32>
    %div3A_132 = arith.divsi %get3A_103, %div3A_131 : vector<64xi32>
    %sign3A_133 = arith.constant 0 : i32
    %sign3A_134 = vector.broadcast %sign3A_133 : i32 to vector<64xi32>
    %sign3A_135 = arith.cmpi sgt, %get3A_103, %sign3A_134 : vector<64xi32>
    %sign3A_136 = arith.extui %sign3A_135 : vector<64xi1> to vector<64xi32>
    %sign3A_137 = arith.constant 0 : i32
    %sign3A_138 = vector.broadcast %sign3A_137 : i32 to vector<64xi32>
    %sign3A_139 = arith.cmpi slt, %get3A_103, %sign3A_138 : vector<64xi32>
    %sign3A_140 = arith.extui %sign3A_139 : vector<64xi1> to vector<64xi32>
    %sign3A_141 = arith.subi %sign3A_136, %sign3A_140 : vector<64xi32>
    %sign3A_142 = arith.constant 0 : i32
    %sign3A_143 = arith.cmpi sgt, %jit3A_130, %sign3A_142 : i32
    %sign3A_144 = arith.extui %sign3A_143 : i1 to i32
    %sign3A_145 = arith.constant 0 : i32
    %sign3A_146 = arith.cmpi slt, %jit3A_130, %sign3A_145 : i32
    %sign3A_147 = arith.extui %sign3A_146 : i1 to i32
    %sign3A_148 = arith.subi %sign3A_144, %sign3A_147 : i32
    %ne3A_149 = vector.broadcast %sign3A_148 : i32 to vector<64xi32>
    %ne3A_150 = arith.cmpi ne, %sign3A_141, %ne3A_149 : vector<64xi32>
    %rem3A_151 = vector.broadcast %jit3A_130 : i32 to vector<64xi32>
    %rem3A_152 = arith.remsi %get3A_103, %rem3A_151 : vector<64xi32>
    %ne3A_153 = arith.constant 0 : i32
    %ne3A_154 = vector.broadcast %ne3A_153 : i32 to vector<64xi32>
    %ne3A_155 = arith.cmpi ne, %rem3A_152, %ne3A_154 : vector<64xi32>
    %and3A_156 = arith.andi %ne3A_150, %ne3A_155 : vector<64xi1>
    %sub3A_157 = arith.constant 1 : i32
    %sub3A_158 = vector.broadcast %sub3A_157 : i32 to vector<64xi32>
    %sub3A_159 = arith.subi %div3A_132, %sub3A_158 : vector<64xi32>
    %select_n3A_160 = arith.select %and3A_156, %sub3A_159, %div3A_132 : vector<64xi1>, vector<64xi32>
    %iota3A_161 = tpu.iota {dimensions = array<i32: 2>} : vector<64x1x160xi32>
    %broadcast_in_dim3A_162 = vector.shape_cast %select_n3A_129 : vector<64xi32> to vector<64x1x1xi32>
    %eq3A_163 = vector.broadcast %broadcast_in_dim3A_162 : vector<64x1x1xi32> to vector<64x1x160xi32>
    %eq3A_164 = arith.cmpi eq, %iota3A_161, %eq3A_163 : vector<64x1x160xi32>
    %reduce_sum3A_165 = arith.constant dense<0.000000e+00> : vector<64x128xf32>
    %reduce_sum3A_166 = vector.multi_reduction <add>, %get3A_107, %reduce_sum3A_165 [2] : vector<64x128x160xf32> to vector<64x128xf32>
    %jit3A_167 = arith.constant 0.000000e+00 : f32
    %broadcast_in_dim3A_168 = vector.shape_cast %eq3A_164 : vector<64x1x160xi1> to vector<64x1x160xi1>
    %broadcast_in_dim3A_169 = vector.broadcast %broadcast_in_dim3A_168 : vector<64x1x160xi1> to vector<64x128x160xi1>
    %broadcast_in_dim3A_170 = vector.broadcast %jit3A_167 : f32 to vector<64x128x160xf32>
    %select_n3A_171 = arith.select %broadcast_in_dim3A_169, %get3A_107, %broadcast_in_dim3A_170 : vector<64x128x160xi1>, vector<64x128x160xf32>
    %reduce_sum3A_172 = arith.constant dense<0.000000e+00> : vector<64x128xf32>
    %reduce_sum3A_173 = vector.multi_reduction <add>, %select_n3A_171, %reduce_sum3A_172 [2] : vector<64x128x160xf32> to vector<64x128xf32>
    %iota3A_174 = tpu.iota {dimensions = array<i32: 1>} : vector<64x128xi32>
    %broadcast_in_dim3A_175 = vector.shape_cast %select_n3A_160 : vector<64xi32> to vector<64x1xi32>
    %eq3A_176 = vector.broadcast %broadcast_in_dim3A_175 : vector<64x1xi32> to vector<64x128xi32>
    %eq3A_177 = arith.cmpi eq, %iota3A_174, %eq3A_176 : vector<64x128xi32>
    %reduce_sum3A_178 = arith.constant dense<0.000000e+00> : vector<64xf32>
    %reduce_sum3A_179 = vector.multi_reduction <add>, %reduce_sum3A_166, %reduce_sum3A_178 [1] : vector<64x128xf32> to vector<64xf32>
    %jit3A_180 = arith.constant 0.000000e+00 : f32
    %broadcast_in_dim3A_181 = vector.broadcast %jit3A_180 : f32 to vector<64x128xf32>
    %select_n3A_182 = arith.select %eq3A_177, %reduce_sum3A_173, %broadcast_in_dim3A_181 : vector<64x128xi1>, vector<64x128xf32>
    %reduce_sum3A_183 = arith.constant dense<0.000000e+00> : vector<64xf32>
    %reduce_sum3A_184 = vector.multi_reduction <add>, %select_n3A_182, %reduce_sum3A_183 [1] : vector<64x128xf32> to vector<64xf32>
    %swap3A_185 = arith.constant 0 : index
    %swap3A_186 = arith.constant 0 : index
    %swap3A_187 = arith.constant 64 : index
    %swap3A_188 = vector.load %arg3[%swap3A_185, %swap3A_186, %swap3A_187] : memref<1x1x256xf32, #tpu.memory_space<vmem>>, vector<1x1x64xf32>
    %swap3A_189 = vector.shape_cast %swap3A_188 : vector<1x1x64xf32> to vector<64xf32>
    %swap3A_190 = vector.shape_cast %reduce_sum3A_179 : vector<64xf32> to vector<1x1x64xf32>
    tpu.vector_store %arg3[%swap3A_185, %swap3A_186, %swap3A_187], %swap3A_190 {strides = array<i32>} : memref<1x1x256xf32, #tpu.memory_space<vmem>>, vector<1x1x64xf32>,
    %swap3A_191 = arith.constant 0 : index
    %swap3A_192 = arith.constant 0 : index
    %swap3A_193 = arith.constant 64 : index
    %swap3A_194 = vector.load %arg4[%swap3A_191, %swap3A_192, %swap3A_193] : memref<1x1x256xf32, #tpu.memory_space<vmem>>, vector<1x1x64xf32>
    %swap3A_195 = vector.shape_cast %swap3A_194 : vector<1x1x64xf32> to vector<64xf32>
    %swap3A_196 = vector.shape_cast %reduce_sum3A_184 : vector<64xf32> to vector<1x1x64xf32>
    tpu.vector_store %arg4[%swap3A_191, %swap3A_192, %swap3A_193], %swap3A_196 {strides = array<i32>} : memref<1x1x256xf32, #tpu.memory_space<vmem>>, vector<1x1x64xf32>,
    %add3A_197 = arith.constant 1 : i32
    %add3A_198 = arith.addi %arg0, %add3A_197 : i32
    %lt3A_199 = arith.constant 4 : i32
    %lt3A_200 = arith.cmpi slt, %add3A_198, %lt3A_199 : i32
    %convert_element_type3A_201 = arith.extui %lt3A_200 : i1 to i32
    %cond3A_202 = arith.constant 0 : i32
    %cond3A_203 = arith.cmpi ne, %convert_element_type3A_201, %cond3A_202 : i32
    scf.if %cond3A_203 {
      %add3A_422 = arith.constant 1 : i32
      %add3A_423 = arith.addi %arg0, %add3A_422 : i32
      %mul3A = arith.constant 4 : i32
      %mul3A_424 = arith.muli %add3A_423, %mul3A : i32
      %add3A_425 = arith.constant 1 : i32
      %add3A_426 = arith.addi %mul3A_424, %add3A_425 : i32
      %mul3A_427 = arith.constant 64 : i32
      %mul3A_428 = arith.muli %add3A_426, %mul3A_427 : i32
      %dma_start3A = arith.constant 0 : i32
      %dma_start3A_429 = arith.constant 0 : i32
      %dma_start3A_430 = tpu.memref_slice %arg2[%mul3A_428, %dma_start3A, %dma_start3A_429] : memref<2048x128x160xf32, #tpu.memory_space<any>> -> memref<64x128x160xf32, #tpu.memory_space<any>>
      tpu.enqueue_dma source(%dma_start3A_430 : memref<64x128x160xf32, #tpu.memory_space<any>>) target(%arg6 : memref<64x128x160xf32, #tpu.memory_space<vmem>>) target_semaphore(%arg10 : memref<!tpu.dma_semaphore, #tpu.memory_space<semaphore_mem>>)
    } else {
    }
    %dma_wait3A_204 = arith.constant 0 : i32
    %dma_wait3A_205 = arith.constant 0 : i32
    %dma_wait3A_206 = arith.constant 0 : i32
    %dma_wait3A_207 = tpu.memref_slice %arg2[%dma_wait3A_204, %dma_wait3A_205, %dma_wait3A_206] : memref<2048x128x160xf32, #tpu.memory_space<any>> -> memref<64x128x160xf32, #tpu.memory_space<any>>
    tpu.wait_dma2 semaphore(%arg11 : memref<!tpu.dma_semaphore, #tpu.memory_space<semaphore_mem>>) src(%dma_wait3A_207 : memref<64x128x160xf32, #tpu.memory_space<any>>) dst(%arg7 : memref<64x128x160xf32, #tpu.memory_space<vmem>>)
    %get3A_208 = arith.constant 0 : index
    %get3A_209 = arith.constant 0 : index
    %get3A_210 = arith.constant 128 : index
    %get3A_211 = vector.load %arg1[%get3A_208, %get3A_209, %get3A_210] : memref<1x1x256xi32, #tpu.memory_space<vmem>>, vector<1x1x64xi32>
    %get3A_212 = vector.shape_cast %get3A_211 : vector<1x1x64xi32> to vector<64xi32>
    %get3A_213 = arith.constant 0 : index
    %get3A_214 = arith.constant 0 : index
    %get3A_215 = arith.constant 0 : index
    %get3A_216 = vector.load %arg7[%get3A_213, %get3A_214, %get3A_215] : memref<64x128x160xf32, #tpu.memory_space<vmem>>, vector<64x128x160xf32>
    %jit3A_217 = arith.constant 160 : i32
    %eq3A_218 = arith.constant 0 : i32
    %eq3A_219 = arith.cmpi eq, %jit3A_217, %eq3A_218 : i32
    %jit3A_220 = arith.constant 1 : i32
    %select_n3A_221 = arith.select %eq3A_219, %jit3A_220, %jit3A_217 : i32
    %rem3A_222 = vector.broadcast %select_n3A_221 : i32 to vector<64xi32>
    %rem3A_223 = arith.remsi %get3A_212, %rem3A_222 : vector<64xi32>
    %ne3A_224 = arith.constant 0 : i32
    %ne3A_225 = vector.broadcast %ne3A_224 : i32 to vector<64xi32>
    %ne3A_226 = arith.cmpi ne, %rem3A_223, %ne3A_225 : vector<64xi32>
    %lt3A_227 = arith.constant 0 : i32
    %lt3A_228 = vector.broadcast %lt3A_227 : i32 to vector<64xi32>
    %lt3A_229 = arith.cmpi slt, %rem3A_223, %lt3A_228 : vector<64xi32>
    %lt3A_230 = arith.constant 0 : i32
    %lt3A_231 = arith.cmpi slt, %select_n3A_221, %lt3A_230 : i32
    %ne3A_232 = vector.broadcast %lt3A_231 : i1 to vector<64xi1>
    %ne3A_233 = vector.broadcast %ne3A_232 : vector<64xi1> to vector<64xi1>
    %ne3A_234 = arith.xori %lt3A_229, %ne3A_233 : vector<64xi1>
    %and3A_235 = arith.andi %ne3A_234, %ne3A_226 : vector<64xi1>
    %add3A_236 = vector.broadcast %select_n3A_221 : i32 to vector<64xi32>
    %add3A_237 = arith.addi %rem3A_223, %add3A_236 : vector<64xi32>
    %select_n3A_238 = arith.select %and3A_235, %add3A_237, %rem3A_223 : vector<64xi1>, vector<64xi32>
    %jit3A_239 = arith.constant 160 : i32
    %div3A_240 = vector.broadcast %jit3A_239 : i32 to vector<64xi32>
    %div3A_241 = arith.divsi %get3A_212, %div3A_240 : vector<64xi32>
    %sign3A_242 = arith.constant 0 : i32
    %sign3A_243 = vector.broadcast %sign3A_242 : i32 to vector<64xi32>
    %sign3A_244 = arith.cmpi sgt, %get3A_212, %sign3A_243 : vector<64xi32>
    %sign3A_245 = arith.extui %sign3A_244 : vector<64xi1> to vector<64xi32>
    %sign3A_246 = arith.constant 0 : i32
    %sign3A_247 = vector.broadcast %sign3A_246 : i32 to vector<64xi32>
    %sign3A_248 = arith.cmpi slt, %get3A_212, %sign3A_247 : vector<64xi32>
    %sign3A_249 = arith.extui %sign3A_248 : vector<64xi1> to vector<64xi32>
    %sign3A_250 = arith.subi %sign3A_245, %sign3A_249 : vector<64xi32>
    %sign3A_251 = arith.constant 0 : i32
    %sign3A_252 = arith.cmpi sgt, %jit3A_239, %sign3A_251 : i32
    %sign3A_253 = arith.extui %sign3A_252 : i1 to i32
    %sign3A_254 = arith.constant 0 : i32
    %sign3A_255 = arith.cmpi slt, %jit3A_239, %sign3A_254 : i32
    %sign3A_256 = arith.extui %sign3A_255 : i1 to i32
    %sign3A_257 = arith.subi %sign3A_253, %sign3A_256 : i32
    %ne3A_258 = vector.broadcast %sign3A_257 : i32 to vector<64xi32>
    %ne3A_259 = arith.cmpi ne, %sign3A_250, %ne3A_258 : vector<64xi32>
    %rem3A_260 = vector.broadcast %jit3A_239 : i32 to vector<64xi32>
    %rem3A_261 = arith.remsi %get3A_212, %rem3A_260 : vector<64xi32>
    %ne3A_262 = arith.constant 0 : i32
    %ne3A_263 = vector.broadcast %ne3A_262 : i32 to vector<64xi32>
    %ne3A_264 = arith.cmpi ne, %rem3A_261, %ne3A_263 : vector<64xi32>
    %and3A_265 = arith.andi %ne3A_259, %ne3A_264 : vector<64xi1>
    %sub3A_266 = arith.constant 1 : i32
    %sub3A_267 = vector.broadcast %sub3A_266 : i32 to vector<64xi32>
    %sub3A_268 = arith.subi %div3A_241, %sub3A_267 : vector<64xi32>
    %select_n3A_269 = arith.select %and3A_265, %sub3A_268, %div3A_241 : vector<64xi1>, vector<64xi32>
    %iota3A_270 = tpu.iota {dimensions = array<i32: 2>} : vector<64x1x160xi32>
    %broadcast_in_dim3A_271 = vector.shape_cast %select_n3A_238 : vector<64xi32> to vector<64x1x1xi32>
    %eq3A_272 = vector.broadcast %broadcast_in_dim3A_271 : vector<64x1x1xi32> to vector<64x1x160xi32>
    %eq3A_273 = arith.cmpi eq, %iota3A_270, %eq3A_272 : vector<64x1x160xi32>
    %reduce_sum3A_274 = arith.constant dense<0.000000e+00> : vector<64x128xf32>
    %reduce_sum3A_275 = vector.multi_reduction <add>, %get3A_216, %reduce_sum3A_274 [2] : vector<64x128x160xf32> to vector<64x128xf32>
    %jit3A_276 = arith.constant 0.000000e+00 : f32
    %broadcast_in_dim3A_277 = vector.shape_cast %eq3A_273 : vector<64x1x160xi1> to vector<64x1x160xi1>
    %broadcast_in_dim3A_278 = vector.broadcast %broadcast_in_dim3A_277 : vector<64x1x160xi1> to vector<64x128x160xi1>
    %broadcast_in_dim3A_279 = vector.broadcast %jit3A_276 : f32 to vector<64x128x160xf32>
    %select_n3A_280 = arith.select %broadcast_in_dim3A_278, %get3A_216, %broadcast_in_dim3A_279 : vector<64x128x160xi1>, vector<64x128x160xf32>
    %reduce_sum3A_281 = arith.constant dense<0.000000e+00> : vector<64x128xf32>
    %reduce_sum3A_282 = vector.multi_reduction <add>, %select_n3A_280, %reduce_sum3A_281 [2] : vector<64x128x160xf32> to vector<64x128xf32>
    %iota3A_283 = tpu.iota {dimensions = array<i32: 1>} : vector<64x128xi32>
    %broadcast_in_dim3A_284 = vector.shape_cast %select_n3A_269 : vector<64xi32> to vector<64x1xi32>
    %eq3A_285 = vector.broadcast %broadcast_in_dim3A_284 : vector<64x1xi32> to vector<64x128xi32>
    %eq3A_286 = arith.cmpi eq, %iota3A_283, %eq3A_285 : vector<64x128xi32>
    %reduce_sum3A_287 = arith.constant dense<0.000000e+00> : vector<64xf32>
    %reduce_sum3A_288 = vector.multi_reduction <add>, %reduce_sum3A_275, %reduce_sum3A_287 [1] : vector<64x128xf32> to vector<64xf32>
    %jit3A_289 = arith.constant 0.000000e+00 : f32
    %broadcast_in_dim3A_290 = vector.broadcast %jit3A_289 : f32 to vector<64x128xf32>
    %select_n3A_291 = arith.select %eq3A_286, %reduce_sum3A_282, %broadcast_in_dim3A_290 : vector<64x128xi1>, vector<64x128xf32>
    %reduce_sum3A_292 = arith.constant dense<0.000000e+00> : vector<64xf32>
    %reduce_sum3A_293 = vector.multi_reduction <add>, %select_n3A_291, %reduce_sum3A_292 [1] : vector<64x128xf32> to vector<64xf32>
    %swap3A_294 = arith.constant 0 : index
    %swap3A_295 = arith.constant 0 : index
    %swap3A_296 = arith.constant 128 : index
    %swap3A_297 = vector.load %arg3[%swap3A_294, %swap3A_295, %swap3A_296] : memref<1x1x256xf32, #tpu.memory_space<vmem>>, vector<1x1x64xf32>
    %swap3A_298 = vector.shape_cast %swap3A_297 : vector<1x1x64xf32> to vector<64xf32>
    %swap3A_299 = vector.shape_cast %reduce_sum3A_288 : vector<64xf32> to vector<1x1x64xf32>
    tpu.vector_store %arg3[%swap3A_294, %swap3A_295, %swap3A_296], %swap3A_299 {strides = array<i32>} : memref<1x1x256xf32, #tpu.memory_space<vmem>>, vector<1x1x64xf32>,
    %swap3A_300 = arith.constant 0 : index
    %swap3A_301 = arith.constant 0 : index
    %swap3A_302 = arith.constant 128 : index
    %swap3A_303 = vector.load %arg4[%swap3A_300, %swap3A_301, %swap3A_302] : memref<1x1x256xf32, #tpu.memory_space<vmem>>, vector<1x1x64xf32>
    %swap3A_304 = vector.shape_cast %swap3A_303 : vector<1x1x64xf32> to vector<64xf32>
    %swap3A_305 = vector.shape_cast %reduce_sum3A_293 : vector<64xf32> to vector<1x1x64xf32>
    tpu.vector_store %arg4[%swap3A_300, %swap3A_301, %swap3A_302], %swap3A_305 {strides = array<i32>} : memref<1x1x256xf32, #tpu.memory_space<vmem>>, vector<1x1x64xf32>,
    %add3A_306 = arith.constant 1 : i32
    %add3A_307 = arith.addi %arg0, %add3A_306 : i32
    %lt3A_308 = arith.constant 4 : i32
    %lt3A_309 = arith.cmpi slt, %add3A_307, %lt3A_308 : i32
    %convert_element_type3A_310 = arith.extui %lt3A_309 : i1 to i32
    %cond3A_311 = arith.constant 0 : i32
    %cond3A_312 = arith.cmpi ne, %convert_element_type3A_310, %cond3A_311 : i32
    scf.if %cond3A_312 {
      %add3A_422 = arith.constant 1 : i32
      %add3A_423 = arith.addi %arg0, %add3A_422 : i32
      %mul3A = arith.constant 4 : i32
      %mul3A_424 = arith.muli %add3A_423, %mul3A : i32
      %add3A_425 = arith.constant 2 : i32
      %add3A_426 = arith.addi %mul3A_424, %add3A_425 : i32
      %mul3A_427 = arith.constant 64 : i32
      %mul3A_428 = arith.muli %add3A_426, %mul3A_427 : i32
      %dma_start3A = arith.constant 0 : i32
      %dma_start3A_429 = arith.constant 0 : i32
      %dma_start3A_430 = tpu.memref_slice %arg2[%mul3A_428, %dma_start3A, %dma_start3A_429] : memref<2048x128x160xf32, #tpu.memory_space<any>> -> memref<64x128x160xf32, #tpu.memory_space<any>>
      tpu.enqueue_dma source(%dma_start3A_430 : memref<64x128x160xf32, #tpu.memory_space<any>>) target(%arg7 : memref<64x128x160xf32, #tpu.memory_space<vmem>>) target_semaphore(%arg11 : memref<!tpu.dma_semaphore, #tpu.memory_space<semaphore_mem>>)
    } else {
    }
    %dma_wait3A_313 = arith.constant 0 : i32
    %dma_wait3A_314 = arith.constant 0 : i32
    %dma_wait3A_315 = arith.constant 0 : i32
    %dma_wait3A_316 = tpu.memref_slice %arg2[%dma_wait3A_313, %dma_wait3A_314, %dma_wait3A_315] : memref<2048x128x160xf32, #tpu.memory_space<any>> -> memref<64x128x160xf32, #tpu.memory_space<any>>
    tpu.wait_dma2 semaphore(%arg12 : memref<!tpu.dma_semaphore, #tpu.memory_space<semaphore_mem>>) src(%dma_wait3A_316 : memref<64x128x160xf32, #tpu.memory_space<any>>) dst(%arg8 : memref<64x128x160xf32, #tpu.memory_space<vmem>>)
    %get3A_317 = arith.constant 0 : index
    %get3A_318 = arith.constant 0 : index
    %get3A_319 = arith.constant 192 : index
    %get3A_320 = vector.load %arg1[%get3A_317, %get3A_318, %get3A_319] : memref<1x1x256xi32, #tpu.memory_space<vmem>>, vector<1x1x64xi32>
    %get3A_321 = vector.shape_cast %get3A_320 : vector<1x1x64xi32> to vector<64xi32>
    %get3A_322 = arith.constant 0 : index
    %get3A_323 = arith.constant 0 : index
    %get3A_324 = arith.constant 0 : index
    %get3A_325 = vector.load %arg8[%get3A_322, %get3A_323, %get3A_324] : memref<64x128x160xf32, #tpu.memory_space<vmem>>, vector<64x128x160xf32>
    %jit3A_326 = arith.constant 160 : i32
    %eq3A_327 = arith.constant 0 : i32
    %eq3A_328 = arith.cmpi eq, %jit3A_326, %eq3A_327 : i32
    %jit3A_329 = arith.constant 1 : i32
    %select_n3A_330 = arith.select %eq3A_328, %jit3A_329, %jit3A_326 : i32
    %rem3A_331 = vector.broadcast %select_n3A_330 : i32 to vector<64xi32>
    %rem3A_332 = arith.remsi %get3A_321, %rem3A_331 : vector<64xi32>
    %ne3A_333 = arith.constant 0 : i32
    %ne3A_334 = vector.broadcast %ne3A_333 : i32 to vector<64xi32>
    %ne3A_335 = arith.cmpi ne, %rem3A_332, %ne3A_334 : vector<64xi32>
    %lt3A_336 = arith.constant 0 : i32
    %lt3A_337 = vector.broadcast %lt3A_336 : i32 to vector<64xi32>
    %lt3A_338 = arith.cmpi slt, %rem3A_332, %lt3A_337 : vector<64xi32>
    %lt3A_339 = arith.constant 0 : i32
    %lt3A_340 = arith.cmpi slt, %select_n3A_330, %lt3A_339 : i32
    %ne3A_341 = vector.broadcast %lt3A_340 : i1 to vector<64xi1>
    %ne3A_342 = vector.broadcast %ne3A_341 : vector<64xi1> to vector<64xi1>
    %ne3A_343 = arith.xori %lt3A_338, %ne3A_342 : vector<64xi1>
    %and3A_344 = arith.andi %ne3A_343, %ne3A_335 : vector<64xi1>
    %add3A_345 = vector.broadcast %select_n3A_330 : i32 to vector<64xi32>
    %add3A_346 = arith.addi %rem3A_332, %add3A_345 : vector<64xi32>
    %select_n3A_347 = arith.select %and3A_344, %add3A_346, %rem3A_332 : vector<64xi1>, vector<64xi32>
    %jit3A_348 = arith.constant 160 : i32
    %div3A_349 = vector.broadcast %jit3A_348 : i32 to vector<64xi32>
    %div3A_350 = arith.divsi %get3A_321, %div3A_349 : vector<64xi32>
    %sign3A_351 = arith.constant 0 : i32
    %sign3A_352 = vector.broadcast %sign3A_351 : i32 to vector<64xi32>
    %sign3A_353 = arith.cmpi sgt, %get3A_321, %sign3A_352 : vector<64xi32>
    %sign3A_354 = arith.extui %sign3A_353 : vector<64xi1> to vector<64xi32>
    %sign3A_355 = arith.constant 0 : i32
    %sign3A_356 = vector.broadcast %sign3A_355 : i32 to vector<64xi32>
    %sign3A_357 = arith.cmpi slt, %get3A_321, %sign3A_356 : vector<64xi32>
    %sign3A_358 = arith.extui %sign3A_357 : vector<64xi1> to vector<64xi32>
    %sign3A_359 = arith.subi %sign3A_354, %sign3A_358 : vector<64xi32>
    %sign3A_360 = arith.constant 0 : i32
    %sign3A_361 = arith.cmpi sgt, %jit3A_348, %sign3A_360 : i32
    %sign3A_362 = arith.extui %sign3A_361 : i1 to i32
    %sign3A_363 = arith.constant 0 : i32
    %sign3A_364 = arith.cmpi slt, %jit3A_348, %sign3A_363 : i32
    %sign3A_365 = arith.extui %sign3A_364 : i1 to i32
    %sign3A_366 = arith.subi %sign3A_362, %sign3A_365 : i32
    %ne3A_367 = vector.broadcast %sign3A_366 : i32 to vector<64xi32>
    %ne3A_368 = arith.cmpi ne, %sign3A_359, %ne3A_367 : vector<64xi32>
    %rem3A_369 = vector.broadcast %jit3A_348 : i32 to vector<64xi32>
    %rem3A_370 = arith.remsi %get3A_321, %rem3A_369 : vector<64xi32>
    %ne3A_371 = arith.constant 0 : i32
    %ne3A_372 = vector.broadcast %ne3A_371 : i32 to vector<64xi32>
    %ne3A_373 = arith.cmpi ne, %rem3A_370, %ne3A_372 : vector<64xi32>
    %and3A_374 = arith.andi %ne3A_368, %ne3A_373 : vector<64xi1>
    %sub3A_375 = arith.constant 1 : i32
    %sub3A_376 = vector.broadcast %sub3A_375 : i32 to vector<64xi32>
    %sub3A_377 = arith.subi %div3A_350, %sub3A_376 : vector<64xi32>
    %select_n3A_378 = arith.select %and3A_374, %sub3A_377, %div3A_350 : vector<64xi1>, vector<64xi32>
    %iota3A_379 = tpu.iota {dimensions = array<i32: 2>} : vector<64x1x160xi32>
    %broadcast_in_dim3A_380 = vector.shape_cast %select_n3A_347 : vector<64xi32> to vector<64x1x1xi32>
    %eq3A_381 = vector.broadcast %broadcast_in_dim3A_380 : vector<64x1x1xi32> to vector<64x1x160xi32>
    %eq3A_382 = arith.cmpi eq, %iota3A_379, %eq3A_381 : vector<64x1x160xi32>
    %reduce_sum3A_383 = arith.constant dense<0.000000e+00> : vector<64x128xf32>
    %reduce_sum3A_384 = vector.multi_reduction <add>, %get3A_325, %reduce_sum3A_383 [2] : vector<64x128x160xf32> to vector<64x128xf32>
    %jit3A_385 = arith.constant 0.000000e+00 : f32
    %broadcast_in_dim3A_386 = vector.shape_cast %eq3A_382 : vector<64x1x160xi1> to vector<64x1x160xi1>
    %broadcast_in_dim3A_387 = vector.broadcast %broadcast_in_dim3A_386 : vector<64x1x160xi1> to vector<64x128x160xi1>
    %broadcast_in_dim3A_388 = vector.broadcast %jit3A_385 : f32 to vector<64x128x160xf32>
    %select_n3A_389 = arith.select %broadcast_in_dim3A_387, %get3A_325, %broadcast_in_dim3A_388 : vector<64x128x160xi1>, vector<64x128x160xf32>
    %reduce_sum3A_390 = arith.constant dense<0.000000e+00> : vector<64x128xf32>
    %reduce_sum3A_391 = vector.multi_reduction <add>, %select_n3A_389, %reduce_sum3A_390 [2] : vector<64x128x160xf32> to vector<64x128xf32>
    %iota3A_392 = tpu.iota {dimensions = array<i32: 1>} : vector<64x128xi32>
    %broadcast_in_dim3A_393 = vector.shape_cast %select_n3A_378 : vector<64xi32> to vector<64x1xi32>
    %eq3A_394 = vector.broadcast %broadcast_in_dim3A_393 : vector<64x1xi32> to vector<64x128xi32>
    %eq3A_395 = arith.cmpi eq, %iota3A_392, %eq3A_394 : vector<64x128xi32>
    %reduce_sum3A_396 = arith.constant dense<0.000000e+00> : vector<64xf32>
    %reduce_sum3A_397 = vector.multi_reduction <add>, %reduce_sum3A_384, %reduce_sum3A_396 [1] : vector<64x128xf32> to vector<64xf32>
    %jit3A_398 = arith.constant 0.000000e+00 : f32
    %broadcast_in_dim3A_399 = vector.broadcast %jit3A_398 : f32 to vector<64x128xf32>
    %select_n3A_400 = arith.select %eq3A_395, %reduce_sum3A_391, %broadcast_in_dim3A_399 : vector<64x128xi1>, vector<64x128xf32>
    %reduce_sum3A_401 = arith.constant dense<0.000000e+00> : vector<64xf32>
    %reduce_sum3A_402 = vector.multi_reduction <add>, %select_n3A_400, %reduce_sum3A_401 [1] : vector<64x128xf32> to vector<64xf32>
    %swap3A_403 = arith.constant 0 : index
    %swap3A_404 = arith.constant 0 : index
    %swap3A_405 = arith.constant 192 : index
    %swap3A_406 = vector.load %arg3[%swap3A_403, %swap3A_404, %swap3A_405] : memref<1x1x256xf32, #tpu.memory_space<vmem>>, vector<1x1x64xf32>
    %swap3A_407 = vector.shape_cast %swap3A_406 : vector<1x1x64xf32> to vector<64xf32>
    %swap3A_408 = vector.shape_cast %reduce_sum3A_397 : vector<64xf32> to vector<1x1x64xf32>
    tpu.vector_store %arg3[%swap3A_403, %swap3A_404, %swap3A_405], %swap3A_408 {strides = array<i32>} : memref<1x1x256xf32, #tpu.memory_space<vmem>>, vector<1x1x64xf32>,
    %swap3A_409 = arith.constant 0 : index
    %swap3A_410 = arith.constant 0 : index
    %swap3A_411 = arith.constant 192 : index
    %swap3A_412 = vector.load %arg4[%swap3A_409, %swap3A_410, %swap3A_411] : memref<1x1x256xf32, #tpu.memory_space<vmem>>, vector<1x1x64xf32>
    %swap3A_413 = vector.shape_cast %swap3A_412 : vector<1x1x64xf32> to vector<64xf32>
    %swap3A_414 = vector.shape_cast %reduce_sum3A_402 : vector<64xf32> to vector<1x1x64xf32>
    tpu.vector_store %arg4[%swap3A_409, %swap3A_410, %swap3A_411], %swap3A_414 {strides = array<i32>} : memref<1x1x256xf32, #tpu.memory_space<vmem>>, vector<1x1x64xf32>,
    %add3A_415 = arith.constant 1 : i32
    %add3A_416 = arith.addi %arg0, %add3A_415 : i32
    %lt3A_417 = arith.constant 4 : i32
    %lt3A_418 = arith.cmpi slt, %add3A_416, %lt3A_417 : i32
    %convert_element_type3A_419 = arith.extui %lt3A_418 : i1 to i32
    %cond3A_420 = arith.constant 0 : i32
    %cond3A_421 = arith.cmpi ne, %convert_element_type3A_419, %cond3A_420 : i32
    scf.if %cond3A_421 {
      %add3A_422 = arith.constant 1 : i32
      %add3A_423 = arith.addi %arg0, %add3A_422 : i32
      %mul3A = arith.constant 4 : i32
      %mul3A_424 = arith.muli %add3A_423, %mul3A : i32
      %add3A_425 = arith.constant 3 : i32
      %add3A_426 = arith.addi %mul3A_424, %add3A_425 : i32
      %mul3A_427 = arith.constant 64 : i32
      %mul3A_428 = arith.muli %add3A_426, %mul3A_427 : i32
      %dma_start3A = arith.constant 0 : i32
      %dma_start3A_429 = arith.constant 0 : i32
      %dma_start3A_430 = tpu.memref_slice %arg2[%mul3A_428, %dma_start3A, %dma_start3A_429] : memref<2048x128x160xf32, #tpu.memory_space<any>> -> memref<64x128x160xf32, #tpu.memory_space<any>>
      tpu.enqueue_dma source(%dma_start3A_430 : memref<64x128x160xf32, #tpu.memory_space<any>>) target(%arg8 : memref<64x128x160xf32, #tpu.memory_space<vmem>>) target_semaphore(%arg12 : memref<!tpu.dma_semaphore, #tpu.memory_space<semaphore_mem>>)
    } else {
    }
    return
  }
  func.func @transform_0(%arg0: i32) -> (i32, i32, i32) {
    %c0_i32 = arith.constant 0 : i32
    %c0_i32_0 = arith.constant 0 : i32
    %c0_i32_1 = arith.constant 0 : i32
    return %arg0, %c0_i32, %c0_i32_0 : i32, i32, i32
  }
  func.func @transform_2(%arg0: i32) -> (i32, i32, i32) {
    %c0_i32 = arith.constant 0 : i32
    %c0_i32_0 = arith.constant 0 : i32
    %c0_i32_1 = arith.constant 0 : i32
    return %arg0, %c0_i32, %c0_i32_0 : i32, i32, i32
  }
  func.func @transform_3(%arg0: i32) -> (i32, i32, i32) {
    %c0_i32 = arith.constant 0 : i32
    %c0_i32_0 = arith.constant 0 : i32
    %c0_i32_1 = arith.constant 0 : i32
    return %arg0, %c0_i32, %c0_i32_0 : i32, i32, i32
  }
}

module attributes {stable_mosaic.version = 14 : i64} {
  func.func @_rows_dma_body(%arg0: i32, %arg1: memref<1x1x256xi32, #tpu.memory_space<vmem>>, %arg2: memref<1024x160x128xf32, #tpu.memory_space<any>>, %arg3: memref<1x1x256xf32, #tpu.memory_space<vmem>>, %arg4: memref<1x1x256xf32, #tpu.memory_space<vmem>>, %arg5: memref<64x160x128xf32, #tpu.memory_space<vmem>>, %arg6: memref<64x160x128xf32, #tpu.memory_space<vmem>>, %arg7: memref<64x160x128xf32, #tpu.memory_space<vmem>>, %arg8: memref<64x160x128xf32, #tpu.memory_space<vmem>>, %arg9: memref<!tpu.dma_semaphore, #tpu.memory_space<semaphore_mem>>, %arg10: memref<!tpu.dma_semaphore, #tpu.memory_space<semaphore_mem>>, %arg11: memref<!tpu.dma_semaphore, #tpu.memory_space<semaphore_mem>>, %arg12: memref<!tpu.dma_semaphore, #tpu.memory_space<semaphore_mem>>) attributes {dimension_semantics = [#tpu.dimension_semantics<arbitrary>], iteration_bounds = array<i64: 4>, scalar_prefetch = 0 : i64, scratch_operands = 8 : i64, tpu.core_type = #tpu.core_type<tc>, window_params = [{transform_indices = @transform_0, window_bounds = array<i64: 1, 1, 256>}, {}, {transform_indices = @transform_2, window_bounds = array<i64: 1, 1, 256>}, {transform_indices = @transform_3, window_bounds = array<i64: 1, 1, 256>}]} {
    %eq3A = arith.constant 0 : i32
    %eq3A_0 = arith.cmpi eq, %arg0, %eq3A : i32
    %convert_element_type3A = arith.extui %eq3A_0 : i1 to i32
    %cond3A = arith.constant 0 : i32
    %cond3A_1 = arith.cmpi ne, %convert_element_type3A, %cond3A : i32
    scf.if %cond3A_1 {
      %dma_start3A = arith.constant 0 : i32
      %dma_start3A_422 = arith.constant 0 : i32
      %dma_start3A_423 = arith.constant 0 : i32
      %dma_start3A_424 = tpu.memref_slice %arg2[%dma_start3A, %dma_start3A_422, %dma_start3A_423] : memref<1024x160x128xf32, #tpu.memory_space<any>> -> memref<64x160x128xf32, #tpu.memory_space<any>>
      tpu.enqueue_dma source(%dma_start3A_424 : memref<64x160x128xf32, #tpu.memory_space<any>>) target(%arg5 : memref<64x160x128xf32, #tpu.memory_space<vmem>>) target_semaphore(%arg9 : memref<!tpu.dma_semaphore, #tpu.memory_space<semaphore_mem>>)
      %dma_start3A_425 = arith.constant 64 : i32
      %dma_start3A_426 = arith.constant 0 : i32
      %dma_start3A_427 = arith.constant 0 : i32
      %dma_start3A_428 = tpu.memref_slice %arg2[%dma_start3A_425, %dma_start3A_426, %dma_start3A_427] : memref<1024x160x128xf32, #tpu.memory_space<any>> -> memref<64x160x128xf32, #tpu.memory_space<any>>
      tpu.enqueue_dma source(%dma_start3A_428 : memref<64x160x128xf32, #tpu.memory_space<any>>) target(%arg6 : memref<64x160x128xf32, #tpu.memory_space<vmem>>) target_semaphore(%arg10 : memref<!tpu.dma_semaphore, #tpu.memory_space<semaphore_mem>>)
      %dma_start3A_429 = arith.constant 128 : i32
      %dma_start3A_430 = arith.constant 0 : i32
      %dma_start3A_431 = arith.constant 0 : i32
      %dma_start3A_432 = tpu.memref_slice %arg2[%dma_start3A_429, %dma_start3A_430, %dma_start3A_431] : memref<1024x160x128xf32, #tpu.memory_space<any>> -> memref<64x160x128xf32, #tpu.memory_space<any>>
      tpu.enqueue_dma source(%dma_start3A_432 : memref<64x160x128xf32, #tpu.memory_space<any>>) target(%arg7 : memref<64x160x128xf32, #tpu.memory_space<vmem>>) target_semaphore(%arg11 : memref<!tpu.dma_semaphore, #tpu.memory_space<semaphore_mem>>)
      %dma_start3A_433 = arith.constant 192 : i32
      %dma_start3A_434 = arith.constant 0 : i32
      %dma_start3A_435 = arith.constant 0 : i32
      %dma_start3A_436 = tpu.memref_slice %arg2[%dma_start3A_433, %dma_start3A_434, %dma_start3A_435] : memref<1024x160x128xf32, #tpu.memory_space<any>> -> memref<64x160x128xf32, #tpu.memory_space<any>>
      tpu.enqueue_dma source(%dma_start3A_436 : memref<64x160x128xf32, #tpu.memory_space<any>>) target(%arg8 : memref<64x160x128xf32, #tpu.memory_space<vmem>>) target_semaphore(%arg12 : memref<!tpu.dma_semaphore, #tpu.memory_space<semaphore_mem>>)
    } else {
    }
    %dma_wait3A = arith.constant 0 : i32
    %dma_wait3A_2 = arith.constant 0 : i32
    %dma_wait3A_3 = arith.constant 0 : i32
    %dma_wait3A_4 = tpu.memref_slice %arg2[%dma_wait3A, %dma_wait3A_2, %dma_wait3A_3] : memref<1024x160x128xf32, #tpu.memory_space<any>> -> memref<64x160x128xf32, #tpu.memory_space<any>>
    tpu.wait_dma2 semaphore(%arg9 : memref<!tpu.dma_semaphore, #tpu.memory_space<semaphore_mem>>) src(%dma_wait3A_4 : memref<64x160x128xf32, #tpu.memory_space<any>>) dst(%arg5 : memref<64x160x128xf32, #tpu.memory_space<vmem>>)
    %get3A = arith.constant 0 : index
    %get3A_5 = arith.constant 0 : index
    %get3A_6 = arith.constant 0 : index
    %get3A_7 = vector.load %arg1[%get3A, %get3A_5, %get3A_6] : memref<1x1x256xi32, #tpu.memory_space<vmem>>, vector<1x1x64xi32>
    %get3A_8 = vector.shape_cast %get3A_7 : vector<1x1x64xi32> to vector<64xi32>
    %get3A_9 = arith.constant 0 : index
    %get3A_10 = arith.constant 0 : index
    %get3A_11 = arith.constant 0 : index
    %get3A_12 = vector.load %arg5[%get3A_9, %get3A_10, %get3A_11] : memref<64x160x128xf32, #tpu.memory_space<vmem>>, vector<64x160x128xf32>
    %jit3A = arith.constant 128 : i32
    %eq3A_13 = arith.constant 0 : i32
    %eq3A_14 = arith.cmpi eq, %jit3A, %eq3A_13 : i32
    %jit3A_15 = arith.constant 1 : i32
    %select_n3A = arith.select %eq3A_14, %jit3A_15, %jit3A : i32
    %rem3A = vector.broadcast %select_n3A : i32 to vector<64xi32>
    %rem3A_16 = arith.remsi %get3A_8, %rem3A : vector<64xi32>
    %ne3A = arith.constant 0 : i32
    %ne3A_17 = vector.broadcast %ne3A : i32 to vector<64xi32>
    %ne3A_18 = arith.cmpi ne, %rem3A_16, %ne3A_17 : vector<64xi32>
    %lt3A = arith.constant 0 : i32
    %lt3A_19 = vector.broadcast %lt3A : i32 to vector<64xi32>
    %lt3A_20 = arith.cmpi slt, %rem3A_16, %lt3A_19 : vector<64xi32>
    %lt3A_21 = arith.constant 0 : i32
    %lt3A_22 = arith.cmpi slt, %select_n3A, %lt3A_21 : i32
    %ne3A_23 = vector.broadcast %lt3A_22 : i1 to vector<64xi1>
    %ne3A_24 = vector.broadcast %ne3A_23 : vector<64xi1> to vector<64xi1>
    %ne3A_25 = arith.xori %lt3A_20, %ne3A_24 : vector<64xi1>
    %and3A = arith.andi %ne3A_25, %ne3A_18 : vector<64xi1>
    %add3A = vector.broadcast %select_n3A : i32 to vector<64xi32>
    %add3A_26 = arith.addi %rem3A_16, %add3A : vector<64xi32>
    %select_n3A_27 = arith.select %and3A, %add3A_26, %rem3A_16 : vector<64xi1>, vector<64xi32>
    %jit3A_28 = arith.constant 128 : i32
    %div3A = vector.broadcast %jit3A_28 : i32 to vector<64xi32>
    %div3A_29 = arith.divsi %get3A_8, %div3A : vector<64xi32>
    %sign3A = arith.constant 0 : i32
    %sign3A_30 = vector.broadcast %sign3A : i32 to vector<64xi32>
    %sign3A_31 = arith.cmpi sgt, %get3A_8, %sign3A_30 : vector<64xi32>
    %sign3A_32 = arith.extui %sign3A_31 : vector<64xi1> to vector<64xi32>
    %sign3A_33 = arith.constant 0 : i32
    %sign3A_34 = vector.broadcast %sign3A_33 : i32 to vector<64xi32>
    %sign3A_35 = arith.cmpi slt, %get3A_8, %sign3A_34 : vector<64xi32>
    %sign3A_36 = arith.extui %sign3A_35 : vector<64xi1> to vector<64xi32>
    %sign3A_37 = arith.subi %sign3A_32, %sign3A_36 : vector<64xi32>
    %sign3A_38 = arith.constant 0 : i32
    %sign3A_39 = arith.cmpi sgt, %jit3A_28, %sign3A_38 : i32
    %sign3A_40 = arith.extui %sign3A_39 : i1 to i32
    %sign3A_41 = arith.constant 0 : i32
    %sign3A_42 = arith.cmpi slt, %jit3A_28, %sign3A_41 : i32
    %sign3A_43 = arith.extui %sign3A_42 : i1 to i32
    %sign3A_44 = arith.subi %sign3A_40, %sign3A_43 : i32
    %ne3A_45 = vector.broadcast %sign3A_44 : i32 to vector<64xi32>
    %ne3A_46 = arith.cmpi ne, %sign3A_37, %ne3A_45 : vector<64xi32>
    %rem3A_47 = vector.broadcast %jit3A_28 : i32 to vector<64xi32>
    %rem3A_48 = arith.remsi %get3A_8, %rem3A_47 : vector<64xi32>
    %ne3A_49 = arith.constant 0 : i32
    %ne3A_50 = vector.broadcast %ne3A_49 : i32 to vector<64xi32>
    %ne3A_51 = arith.cmpi ne, %rem3A_48, %ne3A_50 : vector<64xi32>
    %and3A_52 = arith.andi %ne3A_46, %ne3A_51 : vector<64xi1>
    %sub3A = arith.constant 1 : i32
    %sub3A_53 = vector.broadcast %sub3A : i32 to vector<64xi32>
    %sub3A_54 = arith.subi %div3A_29, %sub3A_53 : vector<64xi32>
    %select_n3A_55 = arith.select %and3A_52, %sub3A_54, %div3A_29 : vector<64xi1>, vector<64xi32>
    %iota3A = tpu.iota {dimensions = array<i32: 2>} : vector<64x1x128xi32>
    %broadcast_in_dim3A = vector.shape_cast %select_n3A_27 : vector<64xi32> to vector<64x1x1xi32>
    %eq3A_56 = vector.broadcast %broadcast_in_dim3A : vector<64x1x1xi32> to vector<64x1x128xi32>
    %eq3A_57 = arith.cmpi eq, %iota3A, %eq3A_56 : vector<64x1x128xi32>
    %reduce_sum3A = arith.constant dense<0.000000e+00> : vector<64x160xf32>
    %reduce_sum3A_58 = vector.multi_reduction <add>, %get3A_12, %reduce_sum3A [2] : vector<64x160x128xf32> to vector<64x160xf32>
    %jit3A_59 = arith.constant 0.000000e+00 : f32
    %broadcast_in_dim3A_60 = vector.shape_cast %eq3A_57 : vector<64x1x128xi1> to vector<64x1x128xi1>
    %broadcast_in_dim3A_61 = vector.broadcast %broadcast_in_dim3A_60 : vector<64x1x128xi1> to vector<64x160x128xi1>
    %broadcast_in_dim3A_62 = vector.broadcast %jit3A_59 : f32 to vector<64x160x128xf32>
    %select_n3A_63 = arith.select %broadcast_in_dim3A_61, %get3A_12, %broadcast_in_dim3A_62 : vector<64x160x128xi1>, vector<64x160x128xf32>
    %reduce_sum3A_64 = arith.constant dense<0.000000e+00> : vector<64x160xf32>
    %reduce_sum3A_65 = vector.multi_reduction <add>, %select_n3A_63, %reduce_sum3A_64 [2] : vector<64x160x128xf32> to vector<64x160xf32>
    %iota3A_66 = tpu.iota {dimensions = array<i32: 1>} : vector<64x160xi32>
    %broadcast_in_dim3A_67 = vector.shape_cast %select_n3A_55 : vector<64xi32> to vector<64x1xi32>
    %eq3A_68 = vector.broadcast %broadcast_in_dim3A_67 : vector<64x1xi32> to vector<64x160xi32>
    %eq3A_69 = arith.cmpi eq, %iota3A_66, %eq3A_68 : vector<64x160xi32>
    %reduce_sum3A_70 = arith.constant dense<0.000000e+00> : vector<64xf32>
    %reduce_sum3A_71 = vector.multi_reduction <add>, %reduce_sum3A_58, %reduce_sum3A_70 [1] : vector<64x160xf32> to vector<64xf32>
    %jit3A_72 = arith.constant 0.000000e+00 : f32
    %broadcast_in_dim3A_73 = vector.broadcast %jit3A_72 : f32 to vector<64x160xf32>
    %select_n3A_74 = arith.select %eq3A_69, %reduce_sum3A_65, %broadcast_in_dim3A_73 : vector<64x160xi1>, vector<64x160xf32>
    %reduce_sum3A_75 = arith.constant dense<0.000000e+00> : vector<64xf32>
    %reduce_sum3A_76 = vector.multi_reduction <add>, %select_n3A_74, %reduce_sum3A_75 [1] : vector<64x160xf32> to vector<64xf32>
    %swap3A = arith.constant 0 : index
    %swap3A_77 = arith.constant 0 : index
    %swap3A_78 = arith.constant 0 : index
    %swap3A_79 = vector.load %arg3[%swap3A, %swap3A_77, %swap3A_78] : memref<1x1x256xf32, #tpu.memory_space<vmem>>, vector<1x1x64xf32>
    %swap3A_80 = vector.shape_cast %swap3A_79 : vector<1x1x64xf32> to vector<64xf32>
    %swap3A_81 = vector.shape_cast %reduce_sum3A_71 : vector<64xf32> to vector<1x1x64xf32>
    tpu.vector_store %arg3[%swap3A, %swap3A_77, %swap3A_78], %swap3A_81 {strides = array<i32>} : memref<1x1x256xf32, #tpu.memory_space<vmem>>, vector<1x1x64xf32>,
    %swap3A_82 = arith.constant 0 : index
    %swap3A_83 = arith.constant 0 : index
    %swap3A_84 = arith.constant 0 : index
    %swap3A_85 = vector.load %arg4[%swap3A_82, %swap3A_83, %swap3A_84] : memref<1x1x256xf32, #tpu.memory_space<vmem>>, vector<1x1x64xf32>
    %swap3A_86 = vector.shape_cast %swap3A_85 : vector<1x1x64xf32> to vector<64xf32>
    %swap3A_87 = vector.shape_cast %reduce_sum3A_76 : vector<64xf32> to vector<1x1x64xf32>
    tpu.vector_store %arg4[%swap3A_82, %swap3A_83, %swap3A_84], %swap3A_87 {strides = array<i32>} : memref<1x1x256xf32, #tpu.memory_space<vmem>>, vector<1x1x64xf32>,
    %add3A_88 = arith.constant 1 : i32
    %add3A_89 = arith.addi %arg0, %add3A_88 : i32
    %lt3A_90 = arith.constant 4 : i32
    %lt3A_91 = arith.cmpi slt, %add3A_89, %lt3A_90 : i32
    %convert_element_type3A_92 = arith.extui %lt3A_91 : i1 to i32
    %cond3A_93 = arith.constant 0 : i32
    %cond3A_94 = arith.cmpi ne, %convert_element_type3A_92, %cond3A_93 : i32
    scf.if %cond3A_94 {
      %add3A_422 = arith.constant 1 : i32
      %add3A_423 = arith.addi %arg0, %add3A_422 : i32
      %mul3A = arith.constant 4 : i32
      %mul3A_424 = arith.muli %add3A_423, %mul3A : i32
      %add3A_425 = arith.constant 0 : i32
      %add3A_426 = arith.addi %mul3A_424, %add3A_425 : i32
      %mul3A_427 = arith.constant 64 : i32
      %mul3A_428 = arith.muli %add3A_426, %mul3A_427 : i32
      %dma_start3A = arith.constant 0 : i32
      %dma_start3A_429 = arith.constant 0 : i32
      %dma_start3A_430 = tpu.memref_slice %arg2[%mul3A_428, %dma_start3A, %dma_start3A_429] : memref<1024x160x128xf32, #tpu.memory_space<any>> -> memref<64x160x128xf32, #tpu.memory_space<any>>
      tpu.enqueue_dma source(%dma_start3A_430 : memref<64x160x128xf32, #tpu.memory_space<any>>) target(%arg5 : memref<64x160x128xf32, #tpu.memory_space<vmem>>) target_semaphore(%arg9 : memref<!tpu.dma_semaphore, #tpu.memory_space<semaphore_mem>>)
    } else {
    }
    %dma_wait3A_95 = arith.constant 0 : i32
    %dma_wait3A_96 = arith.constant 0 : i32
    %dma_wait3A_97 = arith.constant 0 : i32
    %dma_wait3A_98 = tpu.memref_slice %arg2[%dma_wait3A_95, %dma_wait3A_96, %dma_wait3A_97] : memref<1024x160x128xf32, #tpu.memory_space<any>> -> memref<64x160x128xf32, #tpu.memory_space<any>>
    tpu.wait_dma2 semaphore(%arg10 : memref<!tpu.dma_semaphore, #tpu.memory_space<semaphore_mem>>) src(%dma_wait3A_98 : memref<64x160x128xf32, #tpu.memory_space<any>>) dst(%arg6 : memref<64x160x128xf32, #tpu.memory_space<vmem>>)
    %get3A_99 = arith.constant 0 : index
    %get3A_100 = arith.constant 0 : index
    %get3A_101 = arith.constant 64 : index
    %get3A_102 = vector.load %arg1[%get3A_99, %get3A_100, %get3A_101] : memref<1x1x256xi32, #tpu.memory_space<vmem>>, vector<1x1x64xi32>
    %get3A_103 = vector.shape_cast %get3A_102 : vector<1x1x64xi32> to vector<64xi32>
    %get3A_104 = arith.constant 0 : index
    %get3A_105 = arith.constant 0 : index
    %get3A_106 = arith.constant 0 : index
    %get3A_107 = vector.load %arg6[%get3A_104, %get3A_105, %get3A_106] : memref<64x160x128xf32, #tpu.memory_space<vmem>>, vector<64x160x128xf32>
    %jit3A_108 = arith.constant 128 : i32
    %eq3A_109 = arith.constant 0 : i32
    %eq3A_110 = arith.cmpi eq, %jit3A_108, %eq3A_109 : i32
    %jit3A_111 = arith.constant 1 : i32
    %select_n3A_112 = arith.select %eq3A_110, %jit3A_111, %jit3A_108 : i32
    %rem3A_113 = vector.broadcast %select_n3A_112 : i32 to vector<64xi32>
    %rem3A_114 = arith.remsi %get3A_103, %rem3A_113 : vector<64xi32>
    %ne3A_115 = arith.constant 0 : i32
    %ne3A_116 = vector.broadcast %ne3A_115 : i32 to vector<64xi32>
    %ne3A_117 = arith.cmpi ne, %rem3A_114, %ne3A_116 : vector<64xi32>
    %lt3A_118 = arith.constant 0 : i32
    %lt3A_119 = vector.broadcast %lt3A_118 : i32 to vector<64xi32>
    %lt3A_120 = arith.cmpi slt, %rem3A_114, %lt3A_119 : vector<64xi32>
    %lt3A_121 = arith.constant 0 : i32
    %lt3A_122 = arith.cmpi slt, %select_n3A_112, %lt3A_121 : i32
    %ne3A_123 = vector.broadcast %lt3A_122 : i1 to vector<64xi1>
    %ne3A_124 = vector.broadcast %ne3A_123 : vector<64xi1> to vector<64xi1>
    %ne3A_125 = arith.xori %lt3A_120, %ne3A_124 : vector<64xi1>
    %and3A_126 = arith.andi %ne3A_125, %ne3A_117 : vector<64xi1>
    %add3A_127 = vector.broadcast %select_n3A_112 : i32 to vector<64xi32>
    %add3A_128 = arith.addi %rem3A_114, %add3A_127 : vector<64xi32>
    %select_n3A_129 = arith.select %and3A_126, %add3A_128, %rem3A_114 : vector<64xi1>, vector<64xi32>
    %jit3A_130 = arith.constant 128 : i32
    %div3A_131 = vector.broadcast %jit3A_130 : i32 to vector<64xi32>
    %div3A_132 = arith.divsi %get3A_103, %div3A_131 : vector<64xi32>
    %sign3A_133 = arith.constant 0 : i32
    %sign3A_134 = vector.broadcast %sign3A_133 : i32 to vector<64xi32>
    %sign3A_135 = arith.cmpi sgt, %get3A_103, %sign3A_134 : vector<64xi32>
    %sign3A_136 = arith.extui %sign3A_135 : vector<64xi1> to vector<64xi32>
    %sign3A_137 = arith.constant 0 : i32
    %sign3A_138 = vector.broadcast %sign3A_137 : i32 to vector<64xi32>
    %sign3A_139 = arith.cmpi slt, %get3A_103, %sign3A_138 : vector<64xi32>
    %sign3A_140 = arith.extui %sign3A_139 : vector<64xi1> to vector<64xi32>
    %sign3A_141 = arith.subi %sign3A_136, %sign3A_140 : vector<64xi32>
    %sign3A_142 = arith.constant 0 : i32
    %sign3A_143 = arith.cmpi sgt, %jit3A_130, %sign3A_142 : i32
    %sign3A_144 = arith.extui %sign3A_143 : i1 to i32
    %sign3A_145 = arith.constant 0 : i32
    %sign3A_146 = arith.cmpi slt, %jit3A_130, %sign3A_145 : i32
    %sign3A_147 = arith.extui %sign3A_146 : i1 to i32
    %sign3A_148 = arith.subi %sign3A_144, %sign3A_147 : i32
    %ne3A_149 = vector.broadcast %sign3A_148 : i32 to vector<64xi32>
    %ne3A_150 = arith.cmpi ne, %sign3A_141, %ne3A_149 : vector<64xi32>
    %rem3A_151 = vector.broadcast %jit3A_130 : i32 to vector<64xi32>
    %rem3A_152 = arith.remsi %get3A_103, %rem3A_151 : vector<64xi32>
    %ne3A_153 = arith.constant 0 : i32
    %ne3A_154 = vector.broadcast %ne3A_153 : i32 to vector<64xi32>
    %ne3A_155 = arith.cmpi ne, %rem3A_152, %ne3A_154 : vector<64xi32>
    %and3A_156 = arith.andi %ne3A_150, %ne3A_155 : vector<64xi1>
    %sub3A_157 = arith.constant 1 : i32
    %sub3A_158 = vector.broadcast %sub3A_157 : i32 to vector<64xi32>
    %sub3A_159 = arith.subi %div3A_132, %sub3A_158 : vector<64xi32>
    %select_n3A_160 = arith.select %and3A_156, %sub3A_159, %div3A_132 : vector<64xi1>, vector<64xi32>
    %iota3A_161 = tpu.iota {dimensions = array<i32: 2>} : vector<64x1x128xi32>
    %broadcast_in_dim3A_162 = vector.shape_cast %select_n3A_129 : vector<64xi32> to vector<64x1x1xi32>
    %eq3A_163 = vector.broadcast %broadcast_in_dim3A_162 : vector<64x1x1xi32> to vector<64x1x128xi32>
    %eq3A_164 = arith.cmpi eq, %iota3A_161, %eq3A_163 : vector<64x1x128xi32>
    %reduce_sum3A_165 = arith.constant dense<0.000000e+00> : vector<64x160xf32>
    %reduce_sum3A_166 = vector.multi_reduction <add>, %get3A_107, %reduce_sum3A_165 [2] : vector<64x160x128xf32> to vector<64x160xf32>
    %jit3A_167 = arith.constant 0.000000e+00 : f32
    %broadcast_in_dim3A_168 = vector.shape_cast %eq3A_164 : vector<64x1x128xi1> to vector<64x1x128xi1>
    %broadcast_in_dim3A_169 = vector.broadcast %broadcast_in_dim3A_168 : vector<64x1x128xi1> to vector<64x160x128xi1>
    %broadcast_in_dim3A_170 = vector.broadcast %jit3A_167 : f32 to vector<64x160x128xf32>
    %select_n3A_171 = arith.select %broadcast_in_dim3A_169, %get3A_107, %broadcast_in_dim3A_170 : vector<64x160x128xi1>, vector<64x160x128xf32>
    %reduce_sum3A_172 = arith.constant dense<0.000000e+00> : vector<64x160xf32>
    %reduce_sum3A_173 = vector.multi_reduction <add>, %select_n3A_171, %reduce_sum3A_172 [2] : vector<64x160x128xf32> to vector<64x160xf32>
    %iota3A_174 = tpu.iota {dimensions = array<i32: 1>} : vector<64x160xi32>
    %broadcast_in_dim3A_175 = vector.shape_cast %select_n3A_160 : vector<64xi32> to vector<64x1xi32>
    %eq3A_176 = vector.broadcast %broadcast_in_dim3A_175 : vector<64x1xi32> to vector<64x160xi32>
    %eq3A_177 = arith.cmpi eq, %iota3A_174, %eq3A_176 : vector<64x160xi32>
    %reduce_sum3A_178 = arith.constant dense<0.000000e+00> : vector<64xf32>
    %reduce_sum3A_179 = vector.multi_reduction <add>, %reduce_sum3A_166, %reduce_sum3A_178 [1] : vector<64x160xf32> to vector<64xf32>
    %jit3A_180 = arith.constant 0.000000e+00 : f32
    %broadcast_in_dim3A_181 = vector.broadcast %jit3A_180 : f32 to vector<64x160xf32>
    %select_n3A_182 = arith.select %eq3A_177, %reduce_sum3A_173, %broadcast_in_dim3A_181 : vector<64x160xi1>, vector<64x160xf32>
    %reduce_sum3A_183 = arith.constant dense<0.000000e+00> : vector<64xf32>
    %reduce_sum3A_184 = vector.multi_reduction <add>, %select_n3A_182, %reduce_sum3A_183 [1] : vector<64x160xf32> to vector<64xf32>
    %swap3A_185 = arith.constant 0 : index
    %swap3A_186 = arith.constant 0 : index
    %swap3A_187 = arith.constant 64 : index
    %swap3A_188 = vector.load %arg3[%swap3A_185, %swap3A_186, %swap3A_187] : memref<1x1x256xf32, #tpu.memory_space<vmem>>, vector<1x1x64xf32>
    %swap3A_189 = vector.shape_cast %swap3A_188 : vector<1x1x64xf32> to vector<64xf32>
    %swap3A_190 = vector.shape_cast %reduce_sum3A_179 : vector<64xf32> to vector<1x1x64xf32>
    tpu.vector_store %arg3[%swap3A_185, %swap3A_186, %swap3A_187], %swap3A_190 {strides = array<i32>} : memref<1x1x256xf32, #tpu.memory_space<vmem>>, vector<1x1x64xf32>,
    %swap3A_191 = arith.constant 0 : index
    %swap3A_192 = arith.constant 0 : index
    %swap3A_193 = arith.constant 64 : index
    %swap3A_194 = vector.load %arg4[%swap3A_191, %swap3A_192, %swap3A_193] : memref<1x1x256xf32, #tpu.memory_space<vmem>>, vector<1x1x64xf32>
    %swap3A_195 = vector.shape_cast %swap3A_194 : vector<1x1x64xf32> to vector<64xf32>
    %swap3A_196 = vector.shape_cast %reduce_sum3A_184 : vector<64xf32> to vector<1x1x64xf32>
    tpu.vector_store %arg4[%swap3A_191, %swap3A_192, %swap3A_193], %swap3A_196 {strides = array<i32>} : memref<1x1x256xf32, #tpu.memory_space<vmem>>, vector<1x1x64xf32>,
    %add3A_197 = arith.constant 1 : i32
    %add3A_198 = arith.addi %arg0, %add3A_197 : i32
    %lt3A_199 = arith.constant 4 : i32
    %lt3A_200 = arith.cmpi slt, %add3A_198, %lt3A_199 : i32
    %convert_element_type3A_201 = arith.extui %lt3A_200 : i1 to i32
    %cond3A_202 = arith.constant 0 : i32
    %cond3A_203 = arith.cmpi ne, %convert_element_type3A_201, %cond3A_202 : i32
    scf.if %cond3A_203 {
      %add3A_422 = arith.constant 1 : i32
      %add3A_423 = arith.addi %arg0, %add3A_422 : i32
      %mul3A = arith.constant 4 : i32
      %mul3A_424 = arith.muli %add3A_423, %mul3A : i32
      %add3A_425 = arith.constant 1 : i32
      %add3A_426 = arith.addi %mul3A_424, %add3A_425 : i32
      %mul3A_427 = arith.constant 64 : i32
      %mul3A_428 = arith.muli %add3A_426, %mul3A_427 : i32
      %dma_start3A = arith.constant 0 : i32
      %dma_start3A_429 = arith.constant 0 : i32
      %dma_start3A_430 = tpu.memref_slice %arg2[%mul3A_428, %dma_start3A, %dma_start3A_429] : memref<1024x160x128xf32, #tpu.memory_space<any>> -> memref<64x160x128xf32, #tpu.memory_space<any>>
      tpu.enqueue_dma source(%dma_start3A_430 : memref<64x160x128xf32, #tpu.memory_space<any>>) target(%arg6 : memref<64x160x128xf32, #tpu.memory_space<vmem>>) target_semaphore(%arg10 : memref<!tpu.dma_semaphore, #tpu.memory_space<semaphore_mem>>)
    } else {
    }
    %dma_wait3A_204 = arith.constant 0 : i32
    %dma_wait3A_205 = arith.constant 0 : i32
    %dma_wait3A_206 = arith.constant 0 : i32
    %dma_wait3A_207 = tpu.memref_slice %arg2[%dma_wait3A_204, %dma_wait3A_205, %dma_wait3A_206] : memref<1024x160x128xf32, #tpu.memory_space<any>> -> memref<64x160x128xf32, #tpu.memory_space<any>>
    tpu.wait_dma2 semaphore(%arg11 : memref<!tpu.dma_semaphore, #tpu.memory_space<semaphore_mem>>) src(%dma_wait3A_207 : memref<64x160x128xf32, #tpu.memory_space<any>>) dst(%arg7 : memref<64x160x128xf32, #tpu.memory_space<vmem>>)
    %get3A_208 = arith.constant 0 : index
    %get3A_209 = arith.constant 0 : index
    %get3A_210 = arith.constant 128 : index
    %get3A_211 = vector.load %arg1[%get3A_208, %get3A_209, %get3A_210] : memref<1x1x256xi32, #tpu.memory_space<vmem>>, vector<1x1x64xi32>
    %get3A_212 = vector.shape_cast %get3A_211 : vector<1x1x64xi32> to vector<64xi32>
    %get3A_213 = arith.constant 0 : index
    %get3A_214 = arith.constant 0 : index
    %get3A_215 = arith.constant 0 : index
    %get3A_216 = vector.load %arg7[%get3A_213, %get3A_214, %get3A_215] : memref<64x160x128xf32, #tpu.memory_space<vmem>>, vector<64x160x128xf32>
    %jit3A_217 = arith.constant 128 : i32
    %eq3A_218 = arith.constant 0 : i32
    %eq3A_219 = arith.cmpi eq, %jit3A_217, %eq3A_218 : i32
    %jit3A_220 = arith.constant 1 : i32
    %select_n3A_221 = arith.select %eq3A_219, %jit3A_220, %jit3A_217 : i32
    %rem3A_222 = vector.broadcast %select_n3A_221 : i32 to vector<64xi32>
    %rem3A_223 = arith.remsi %get3A_212, %rem3A_222 : vector<64xi32>
    %ne3A_224 = arith.constant 0 : i32
    %ne3A_225 = vector.broadcast %ne3A_224 : i32 to vector<64xi32>
    %ne3A_226 = arith.cmpi ne, %rem3A_223, %ne3A_225 : vector<64xi32>
    %lt3A_227 = arith.constant 0 : i32
    %lt3A_228 = vector.broadcast %lt3A_227 : i32 to vector<64xi32>
    %lt3A_229 = arith.cmpi slt, %rem3A_223, %lt3A_228 : vector<64xi32>
    %lt3A_230 = arith.constant 0 : i32
    %lt3A_231 = arith.cmpi slt, %select_n3A_221, %lt3A_230 : i32
    %ne3A_232 = vector.broadcast %lt3A_231 : i1 to vector<64xi1>
    %ne3A_233 = vector.broadcast %ne3A_232 : vector<64xi1> to vector<64xi1>
    %ne3A_234 = arith.xori %lt3A_229, %ne3A_233 : vector<64xi1>
    %and3A_235 = arith.andi %ne3A_234, %ne3A_226 : vector<64xi1>
    %add3A_236 = vector.broadcast %select_n3A_221 : i32 to vector<64xi32>
    %add3A_237 = arith.addi %rem3A_223, %add3A_236 : vector<64xi32>
    %select_n3A_238 = arith.select %and3A_235, %add3A_237, %rem3A_223 : vector<64xi1>, vector<64xi32>
    %jit3A_239 = arith.constant 128 : i32
    %div3A_240 = vector.broadcast %jit3A_239 : i32 to vector<64xi32>
    %div3A_241 = arith.divsi %get3A_212, %div3A_240 : vector<64xi32>
    %sign3A_242 = arith.constant 0 : i32
    %sign3A_243 = vector.broadcast %sign3A_242 : i32 to vector<64xi32>
    %sign3A_244 = arith.cmpi sgt, %get3A_212, %sign3A_243 : vector<64xi32>
    %sign3A_245 = arith.extui %sign3A_244 : vector<64xi1> to vector<64xi32>
    %sign3A_246 = arith.constant 0 : i32
    %sign3A_247 = vector.broadcast %sign3A_246 : i32 to vector<64xi32>
    %sign3A_248 = arith.cmpi slt, %get3A_212, %sign3A_247 : vector<64xi32>
    %sign3A_249 = arith.extui %sign3A_248 : vector<64xi1> to vector<64xi32>
    %sign3A_250 = arith.subi %sign3A_245, %sign3A_249 : vector<64xi32>
    %sign3A_251 = arith.constant 0 : i32
    %sign3A_252 = arith.cmpi sgt, %jit3A_239, %sign3A_251 : i32
    %sign3A_253 = arith.extui %sign3A_252 : i1 to i32
    %sign3A_254 = arith.constant 0 : i32
    %sign3A_255 = arith.cmpi slt, %jit3A_239, %sign3A_254 : i32
    %sign3A_256 = arith.extui %sign3A_255 : i1 to i32
    %sign3A_257 = arith.subi %sign3A_253, %sign3A_256 : i32
    %ne3A_258 = vector.broadcast %sign3A_257 : i32 to vector<64xi32>
    %ne3A_259 = arith.cmpi ne, %sign3A_250, %ne3A_258 : vector<64xi32>
    %rem3A_260 = vector.broadcast %jit3A_239 : i32 to vector<64xi32>
    %rem3A_261 = arith.remsi %get3A_212, %rem3A_260 : vector<64xi32>
    %ne3A_262 = arith.constant 0 : i32
    %ne3A_263 = vector.broadcast %ne3A_262 : i32 to vector<64xi32>
    %ne3A_264 = arith.cmpi ne, %rem3A_261, %ne3A_263 : vector<64xi32>
    %and3A_265 = arith.andi %ne3A_259, %ne3A_264 : vector<64xi1>
    %sub3A_266 = arith.constant 1 : i32
    %sub3A_267 = vector.broadcast %sub3A_266 : i32 to vector<64xi32>
    %sub3A_268 = arith.subi %div3A_241, %sub3A_267 : vector<64xi32>
    %select_n3A_269 = arith.select %and3A_265, %sub3A_268, %div3A_241 : vector<64xi1>, vector<64xi32>
    %iota3A_270 = tpu.iota {dimensions = array<i32: 2>} : vector<64x1x128xi32>
    %broadcast_in_dim3A_271 = vector.shape_cast %select_n3A_238 : vector<64xi32> to vector<64x1x1xi32>
    %eq3A_272 = vector.broadcast %broadcast_in_dim3A_271 : vector<64x1x1xi32> to vector<64x1x128xi32>
    %eq3A_273 = arith.cmpi eq, %iota3A_270, %eq3A_272 : vector<64x1x128xi32>
    %reduce_sum3A_274 = arith.constant dense<0.000000e+00> : vector<64x160xf32>
    %reduce_sum3A_275 = vector.multi_reduction <add>, %get3A_216, %reduce_sum3A_274 [2] : vector<64x160x128xf32> to vector<64x160xf32>
    %jit3A_276 = arith.constant 0.000000e+00 : f32
    %broadcast_in_dim3A_277 = vector.shape_cast %eq3A_273 : vector<64x1x128xi1> to vector<64x1x128xi1>
    %broadcast_in_dim3A_278 = vector.broadcast %broadcast_in_dim3A_277 : vector<64x1x128xi1> to vector<64x160x128xi1>
    %broadcast_in_dim3A_279 = vector.broadcast %jit3A_276 : f32 to vector<64x160x128xf32>
    %select_n3A_280 = arith.select %broadcast_in_dim3A_278, %get3A_216, %broadcast_in_dim3A_279 : vector<64x160x128xi1>, vector<64x160x128xf32>
    %reduce_sum3A_281 = arith.constant dense<0.000000e+00> : vector<64x160xf32>
    %reduce_sum3A_282 = vector.multi_reduction <add>, %select_n3A_280, %reduce_sum3A_281 [2] : vector<64x160x128xf32> to vector<64x160xf32>
    %iota3A_283 = tpu.iota {dimensions = array<i32: 1>} : vector<64x160xi32>
    %broadcast_in_dim3A_284 = vector.shape_cast %select_n3A_269 : vector<64xi32> to vector<64x1xi32>
    %eq3A_285 = vector.broadcast %broadcast_in_dim3A_284 : vector<64x1xi32> to vector<64x160xi32>
    %eq3A_286 = arith.cmpi eq, %iota3A_283, %eq3A_285 : vector<64x160xi32>
    %reduce_sum3A_287 = arith.constant dense<0.000000e+00> : vector<64xf32>
    %reduce_sum3A_288 = vector.multi_reduction <add>, %reduce_sum3A_275, %reduce_sum3A_287 [1] : vector<64x160xf32> to vector<64xf32>
    %jit3A_289 = arith.constant 0.000000e+00 : f32
    %broadcast_in_dim3A_290 = vector.broadcast %jit3A_289 : f32 to vector<64x160xf32>
    %select_n3A_291 = arith.select %eq3A_286, %reduce_sum3A_282, %broadcast_in_dim3A_290 : vector<64x160xi1>, vector<64x160xf32>
    %reduce_sum3A_292 = arith.constant dense<0.000000e+00> : vector<64xf32>
    %reduce_sum3A_293 = vector.multi_reduction <add>, %select_n3A_291, %reduce_sum3A_292 [1] : vector<64x160xf32> to vector<64xf32>
    %swap3A_294 = arith.constant 0 : index
    %swap3A_295 = arith.constant 0 : index
    %swap3A_296 = arith.constant 128 : index
    %swap3A_297 = vector.load %arg3[%swap3A_294, %swap3A_295, %swap3A_296] : memref<1x1x256xf32, #tpu.memory_space<vmem>>, vector<1x1x64xf32>
    %swap3A_298 = vector.shape_cast %swap3A_297 : vector<1x1x64xf32> to vector<64xf32>
    %swap3A_299 = vector.shape_cast %reduce_sum3A_288 : vector<64xf32> to vector<1x1x64xf32>
    tpu.vector_store %arg3[%swap3A_294, %swap3A_295, %swap3A_296], %swap3A_299 {strides = array<i32>} : memref<1x1x256xf32, #tpu.memory_space<vmem>>, vector<1x1x64xf32>,
    %swap3A_300 = arith.constant 0 : index
    %swap3A_301 = arith.constant 0 : index
    %swap3A_302 = arith.constant 128 : index
    %swap3A_303 = vector.load %arg4[%swap3A_300, %swap3A_301, %swap3A_302] : memref<1x1x256xf32, #tpu.memory_space<vmem>>, vector<1x1x64xf32>
    %swap3A_304 = vector.shape_cast %swap3A_303 : vector<1x1x64xf32> to vector<64xf32>
    %swap3A_305 = vector.shape_cast %reduce_sum3A_293 : vector<64xf32> to vector<1x1x64xf32>
    tpu.vector_store %arg4[%swap3A_300, %swap3A_301, %swap3A_302], %swap3A_305 {strides = array<i32>} : memref<1x1x256xf32, #tpu.memory_space<vmem>>, vector<1x1x64xf32>,
    %add3A_306 = arith.constant 1 : i32
    %add3A_307 = arith.addi %arg0, %add3A_306 : i32
    %lt3A_308 = arith.constant 4 : i32
    %lt3A_309 = arith.cmpi slt, %add3A_307, %lt3A_308 : i32
    %convert_element_type3A_310 = arith.extui %lt3A_309 : i1 to i32
    %cond3A_311 = arith.constant 0 : i32
    %cond3A_312 = arith.cmpi ne, %convert_element_type3A_310, %cond3A_311 : i32
    scf.if %cond3A_312 {
      %add3A_422 = arith.constant 1 : i32
      %add3A_423 = arith.addi %arg0, %add3A_422 : i32
      %mul3A = arith.constant 4 : i32
      %mul3A_424 = arith.muli %add3A_423, %mul3A : i32
      %add3A_425 = arith.constant 2 : i32
      %add3A_426 = arith.addi %mul3A_424, %add3A_425 : i32
      %mul3A_427 = arith.constant 64 : i32
      %mul3A_428 = arith.muli %add3A_426, %mul3A_427 : i32
      %dma_start3A = arith.constant 0 : i32
      %dma_start3A_429 = arith.constant 0 : i32
      %dma_start3A_430 = tpu.memref_slice %arg2[%mul3A_428, %dma_start3A, %dma_start3A_429] : memref<1024x160x128xf32, #tpu.memory_space<any>> -> memref<64x160x128xf32, #tpu.memory_space<any>>
      tpu.enqueue_dma source(%dma_start3A_430 : memref<64x160x128xf32, #tpu.memory_space<any>>) target(%arg7 : memref<64x160x128xf32, #tpu.memory_space<vmem>>) target_semaphore(%arg11 : memref<!tpu.dma_semaphore, #tpu.memory_space<semaphore_mem>>)
    } else {
    }
    %dma_wait3A_313 = arith.constant 0 : i32
    %dma_wait3A_314 = arith.constant 0 : i32
    %dma_wait3A_315 = arith.constant 0 : i32
    %dma_wait3A_316 = tpu.memref_slice %arg2[%dma_wait3A_313, %dma_wait3A_314, %dma_wait3A_315] : memref<1024x160x128xf32, #tpu.memory_space<any>> -> memref<64x160x128xf32, #tpu.memory_space<any>>
    tpu.wait_dma2 semaphore(%arg12 : memref<!tpu.dma_semaphore, #tpu.memory_space<semaphore_mem>>) src(%dma_wait3A_316 : memref<64x160x128xf32, #tpu.memory_space<any>>) dst(%arg8 : memref<64x160x128xf32, #tpu.memory_space<vmem>>)
    %get3A_317 = arith.constant 0 : index
    %get3A_318 = arith.constant 0 : index
    %get3A_319 = arith.constant 192 : index
    %get3A_320 = vector.load %arg1[%get3A_317, %get3A_318, %get3A_319] : memref<1x1x256xi32, #tpu.memory_space<vmem>>, vector<1x1x64xi32>
    %get3A_321 = vector.shape_cast %get3A_320 : vector<1x1x64xi32> to vector<64xi32>
    %get3A_322 = arith.constant 0 : index
    %get3A_323 = arith.constant 0 : index
    %get3A_324 = arith.constant 0 : index
    %get3A_325 = vector.load %arg8[%get3A_322, %get3A_323, %get3A_324] : memref<64x160x128xf32, #tpu.memory_space<vmem>>, vector<64x160x128xf32>
    %jit3A_326 = arith.constant 128 : i32
    %eq3A_327 = arith.constant 0 : i32
    %eq3A_328 = arith.cmpi eq, %jit3A_326, %eq3A_327 : i32
    %jit3A_329 = arith.constant 1 : i32
    %select_n3A_330 = arith.select %eq3A_328, %jit3A_329, %jit3A_326 : i32
    %rem3A_331 = vector.broadcast %select_n3A_330 : i32 to vector<64xi32>
    %rem3A_332 = arith.remsi %get3A_321, %rem3A_331 : vector<64xi32>
    %ne3A_333 = arith.constant 0 : i32
    %ne3A_334 = vector.broadcast %ne3A_333 : i32 to vector<64xi32>
    %ne3A_335 = arith.cmpi ne, %rem3A_332, %ne3A_334 : vector<64xi32>
    %lt3A_336 = arith.constant 0 : i32
    %lt3A_337 = vector.broadcast %lt3A_336 : i32 to vector<64xi32>
    %lt3A_338 = arith.cmpi slt, %rem3A_332, %lt3A_337 : vector<64xi32>
    %lt3A_339 = arith.constant 0 : i32
    %lt3A_340 = arith.cmpi slt, %select_n3A_330, %lt3A_339 : i32
    %ne3A_341 = vector.broadcast %lt3A_340 : i1 to vector<64xi1>
    %ne3A_342 = vector.broadcast %ne3A_341 : vector<64xi1> to vector<64xi1>
    %ne3A_343 = arith.xori %lt3A_338, %ne3A_342 : vector<64xi1>
    %and3A_344 = arith.andi %ne3A_343, %ne3A_335 : vector<64xi1>
    %add3A_345 = vector.broadcast %select_n3A_330 : i32 to vector<64xi32>
    %add3A_346 = arith.addi %rem3A_332, %add3A_345 : vector<64xi32>
    %select_n3A_347 = arith.select %and3A_344, %add3A_346, %rem3A_332 : vector<64xi1>, vector<64xi32>
    %jit3A_348 = arith.constant 128 : i32
    %div3A_349 = vector.broadcast %jit3A_348 : i32 to vector<64xi32>
    %div3A_350 = arith.divsi %get3A_321, %div3A_349 : vector<64xi32>
    %sign3A_351 = arith.constant 0 : i32
    %sign3A_352 = vector.broadcast %sign3A_351 : i32 to vector<64xi32>
    %sign3A_353 = arith.cmpi sgt, %get3A_321, %sign3A_352 : vector<64xi32>
    %sign3A_354 = arith.extui %sign3A_353 : vector<64xi1> to vector<64xi32>
    %sign3A_355 = arith.constant 0 : i32
    %sign3A_356 = vector.broadcast %sign3A_355 : i32 to vector<64xi32>
    %sign3A_357 = arith.cmpi slt, %get3A_321, %sign3A_356 : vector<64xi32>
    %sign3A_358 = arith.extui %sign3A_357 : vector<64xi1> to vector<64xi32>
    %sign3A_359 = arith.subi %sign3A_354, %sign3A_358 : vector<64xi32>
    %sign3A_360 = arith.constant 0 : i32
    %sign3A_361 = arith.cmpi sgt, %jit3A_348, %sign3A_360 : i32
    %sign3A_362 = arith.extui %sign3A_361 : i1 to i32
    %sign3A_363 = arith.constant 0 : i32
    %sign3A_364 = arith.cmpi slt, %jit3A_348, %sign3A_363 : i32
    %sign3A_365 = arith.extui %sign3A_364 : i1 to i32
    %sign3A_366 = arith.subi %sign3A_362, %sign3A_365 : i32
    %ne3A_367 = vector.broadcast %sign3A_366 : i32 to vector<64xi32>
    %ne3A_368 = arith.cmpi ne, %sign3A_359, %ne3A_367 : vector<64xi32>
    %rem3A_369 = vector.broadcast %jit3A_348 : i32 to vector<64xi32>
    %rem3A_370 = arith.remsi %get3A_321, %rem3A_369 : vector<64xi32>
    %ne3A_371 = arith.constant 0 : i32
    %ne3A_372 = vector.broadcast %ne3A_371 : i32 to vector<64xi32>
    %ne3A_373 = arith.cmpi ne, %rem3A_370, %ne3A_372 : vector<64xi32>
    %and3A_374 = arith.andi %ne3A_368, %ne3A_373 : vector<64xi1>
    %sub3A_375 = arith.constant 1 : i32
    %sub3A_376 = vector.broadcast %sub3A_375 : i32 to vector<64xi32>
    %sub3A_377 = arith.subi %div3A_350, %sub3A_376 : vector<64xi32>
    %select_n3A_378 = arith.select %and3A_374, %sub3A_377, %div3A_350 : vector<64xi1>, vector<64xi32>
    %iota3A_379 = tpu.iota {dimensions = array<i32: 2>} : vector<64x1x128xi32>
    %broadcast_in_dim3A_380 = vector.shape_cast %select_n3A_347 : vector<64xi32> to vector<64x1x1xi32>
    %eq3A_381 = vector.broadcast %broadcast_in_dim3A_380 : vector<64x1x1xi32> to vector<64x1x128xi32>
    %eq3A_382 = arith.cmpi eq, %iota3A_379, %eq3A_381 : vector<64x1x128xi32>
    %reduce_sum3A_383 = arith.constant dense<0.000000e+00> : vector<64x160xf32>
    %reduce_sum3A_384 = vector.multi_reduction <add>, %get3A_325, %reduce_sum3A_383 [2] : vector<64x160x128xf32> to vector<64x160xf32>
    %jit3A_385 = arith.constant 0.000000e+00 : f32
    %broadcast_in_dim3A_386 = vector.shape_cast %eq3A_382 : vector<64x1x128xi1> to vector<64x1x128xi1>
    %broadcast_in_dim3A_387 = vector.broadcast %broadcast_in_dim3A_386 : vector<64x1x128xi1> to vector<64x160x128xi1>
    %broadcast_in_dim3A_388 = vector.broadcast %jit3A_385 : f32 to vector<64x160x128xf32>
    %select_n3A_389 = arith.select %broadcast_in_dim3A_387, %get3A_325, %broadcast_in_dim3A_388 : vector<64x160x128xi1>, vector<64x160x128xf32>
    %reduce_sum3A_390 = arith.constant dense<0.000000e+00> : vector<64x160xf32>
    %reduce_sum3A_391 = vector.multi_reduction <add>, %select_n3A_389, %reduce_sum3A_390 [2] : vector<64x160x128xf32> to vector<64x160xf32>
    %iota3A_392 = tpu.iota {dimensions = array<i32: 1>} : vector<64x160xi32>
    %broadcast_in_dim3A_393 = vector.shape_cast %select_n3A_378 : vector<64xi32> to vector<64x1xi32>
    %eq3A_394 = vector.broadcast %broadcast_in_dim3A_393 : vector<64x1xi32> to vector<64x160xi32>
    %eq3A_395 = arith.cmpi eq, %iota3A_392, %eq3A_394 : vector<64x160xi32>
    %reduce_sum3A_396 = arith.constant dense<0.000000e+00> : vector<64xf32>
    %reduce_sum3A_397 = vector.multi_reduction <add>, %reduce_sum3A_384, %reduce_sum3A_396 [1] : vector<64x160xf32> to vector<64xf32>
    %jit3A_398 = arith.constant 0.000000e+00 : f32
    %broadcast_in_dim3A_399 = vector.broadcast %jit3A_398 : f32 to vector<64x160xf32>
    %select_n3A_400 = arith.select %eq3A_395, %reduce_sum3A_391, %broadcast_in_dim3A_399 : vector<64x160xi1>, vector<64x160xf32>
    %reduce_sum3A_401 = arith.constant dense<0.000000e+00> : vector<64xf32>
    %reduce_sum3A_402 = vector.multi_reduction <add>, %select_n3A_400, %reduce_sum3A_401 [1] : vector<64x160xf32> to vector<64xf32>
    %swap3A_403 = arith.constant 0 : index
    %swap3A_404 = arith.constant 0 : index
    %swap3A_405 = arith.constant 192 : index
    %swap3A_406 = vector.load %arg3[%swap3A_403, %swap3A_404, %swap3A_405] : memref<1x1x256xf32, #tpu.memory_space<vmem>>, vector<1x1x64xf32>
    %swap3A_407 = vector.shape_cast %swap3A_406 : vector<1x1x64xf32> to vector<64xf32>
    %swap3A_408 = vector.shape_cast %reduce_sum3A_397 : vector<64xf32> to vector<1x1x64xf32>
    tpu.vector_store %arg3[%swap3A_403, %swap3A_404, %swap3A_405], %swap3A_408 {strides = array<i32>} : memref<1x1x256xf32, #tpu.memory_space<vmem>>, vector<1x1x64xf32>,
    %swap3A_409 = arith.constant 0 : index
    %swap3A_410 = arith.constant 0 : index
    %swap3A_411 = arith.constant 192 : index
    %swap3A_412 = vector.load %arg4[%swap3A_409, %swap3A_410, %swap3A_411] : memref<1x1x256xf32, #tpu.memory_space<vmem>>, vector<1x1x64xf32>
    %swap3A_413 = vector.shape_cast %swap3A_412 : vector<1x1x64xf32> to vector<64xf32>
    %swap3A_414 = vector.shape_cast %reduce_sum3A_402 : vector<64xf32> to vector<1x1x64xf32>
    tpu.vector_store %arg4[%swap3A_409, %swap3A_410, %swap3A_411], %swap3A_414 {strides = array<i32>} : memref<1x1x256xf32, #tpu.memory_space<vmem>>, vector<1x1x64xf32>,
    %add3A_415 = arith.constant 1 : i32
    %add3A_416 = arith.addi %arg0, %add3A_415 : i32
    %lt3A_417 = arith.constant 4 : i32
    %lt3A_418 = arith.cmpi slt, %add3A_416, %lt3A_417 : i32
    %convert_element_type3A_419 = arith.extui %lt3A_418 : i1 to i32
    %cond3A_420 = arith.constant 0 : i32
    %cond3A_421 = arith.cmpi ne, %convert_element_type3A_419, %cond3A_420 : i32
    scf.if %cond3A_421 {
      %add3A_422 = arith.constant 1 : i32
      %add3A_423 = arith.addi %arg0, %add3A_422 : i32
      %mul3A = arith.constant 4 : i32
      %mul3A_424 = arith.muli %add3A_423, %mul3A : i32
      %add3A_425 = arith.constant 3 : i32
      %add3A_426 = arith.addi %mul3A_424, %add3A_425 : i32
      %mul3A_427 = arith.constant 64 : i32
      %mul3A_428 = arith.muli %add3A_426, %mul3A_427 : i32
      %dma_start3A = arith.constant 0 : i32
      %dma_start3A_429 = arith.constant 0 : i32
      %dma_start3A_430 = tpu.memref_slice %arg2[%mul3A_428, %dma_start3A, %dma_start3A_429] : memref<1024x160x128xf32, #tpu.memory_space<any>> -> memref<64x160x128xf32, #tpu.memory_space<any>>
      tpu.enqueue_dma source(%dma_start3A_430 : memref<64x160x128xf32, #tpu.memory_space<any>>) target(%arg8 : memref<64x160x128xf32, #tpu.memory_space<vmem>>) target_semaphore(%arg12 : memref<!tpu.dma_semaphore, #tpu.memory_space<semaphore_mem>>)
    } else {
    }
    return
  }
  func.func @transform_0(%arg0: i32) -> (i32, i32, i32) {
    %c0_i32 = arith.constant 0 : i32
    %c0_i32_0 = arith.constant 0 : i32
    %c0_i32_1 = arith.constant 0 : i32
    return %arg0, %c0_i32, %c0_i32_0 : i32, i32, i32
  }
  func.func @transform_2(%arg0: i32) -> (i32, i32, i32) {
    %c0_i32 = arith.constant 0 : i32
    %c0_i32_0 = arith.constant 0 : i32
    %c0_i32_1 = arith.constant 0 : i32
    return %arg0, %c0_i32, %c0_i32_0 : i32, i32, i32
  }
  func.func @transform_3(%arg0: i32) -> (i32, i32, i32) {
    %c0_i32 = arith.constant 0 : i32
    %c0_i32_0 = arith.constant 0 : i32
    %c0_i32_1 = arith.constant 0 : i32
    return %arg0, %c0_i32, %c0_i32_0 : i32, i32, i32
  }
}

module attributes {stable_mosaic.version = 14 : i64} {
  func.func @_loss_body(%arg0: memref<1x2048xf32, #tpu.memory_space<vmem>>, %arg1: memref<1x2048xf32, #tpu.memory_space<vmem>>, %arg2: memref<1x2048xf32, #tpu.memory_space<vmem>>, %arg3: memref<2048x1xf32, #tpu.memory_space<vmem>>, %arg4: memref<2048x1xf32, #tpu.memory_space<vmem>>, %arg5: memref<2048x1xf32, #tpu.memory_space<vmem>>, %arg6: memref<1x1xf32, #tpu.memory_space<vmem>>) attributes {dimension_semantics = [], scalar_prefetch = 0 : i64, scratch_operands = 0 : i64, tpu.core_type = #tpu.core_type<tc>} {
    %get3A = arith.constant 0 : index
    %get3A_0 = arith.constant 0 : index
    %get3A_1 = vector.load %arg2[%get3A, %get3A_0] : memref<1x2048xf32, #tpu.memory_space<vmem>>, vector<1x2048xf32>
    %get3A_2 = arith.constant 0 : index
    %get3A_3 = arith.constant 0 : index
    %get3A_4 = vector.load %arg1[%get3A_2, %get3A_3] : memref<1x2048xf32, #tpu.memory_space<vmem>>, vector<1x2048xf32>
    %get3A_5 = arith.constant 0 : index
    %get3A_6 = arith.constant 0 : index
    %get3A_7 = vector.load %arg0[%get3A_5, %get3A_6] : memref<1x2048xf32, #tpu.memory_space<vmem>>, vector<1x2048xf32>
    %div3A = arith.divf %get3A_4, %get3A_7 : vector<1x2048xf32>
    %add3A = arith.constant 1.000000e-10 : f32
    %add3A_8 = vector.broadcast %add3A : f32 to vector<1x2048xf32>
    %add3A_9 = arith.addf %add3A_8, %div3A : vector<1x2048xf32>
    %log3A = math.log %add3A_9 : vector<1x2048xf32>
    %neg3A = arith.constant 0.000000e+00 : f32
    %neg3A_10 = vector.broadcast %neg3A : f32 to vector<1x2048xf32>
    %neg3A_11 = arith.subf %neg3A_10, %log3A : vector<1x2048xf32>
    %mul3A = arith.mulf %get3A_1, %neg3A_11 : vector<1x2048xf32>
    %get3A_12 = arith.constant 0 : index
    %get3A_13 = arith.constant 0 : index
    %get3A_14 = vector.load %arg5[%get3A_12, %get3A_13] : memref<2048x1xf32, #tpu.memory_space<vmem>>, vector<2048x1xf32>
    %get3A_15 = arith.constant 0 : index
    %get3A_16 = arith.constant 0 : index
    %get3A_17 = vector.load %arg4[%get3A_15, %get3A_16] : memref<2048x1xf32, #tpu.memory_space<vmem>>, vector<2048x1xf32>
    %get3A_18 = arith.constant 0 : index
    %get3A_19 = arith.constant 0 : index
    %get3A_20 = vector.load %arg3[%get3A_18, %get3A_19] : memref<2048x1xf32, #tpu.memory_space<vmem>>, vector<2048x1xf32>
    %div3A_21 = arith.divf %get3A_17, %get3A_20 : vector<2048x1xf32>
    %add3A_22 = arith.constant 1.000000e-10 : f32
    %add3A_23 = vector.broadcast %add3A_22 : f32 to vector<2048x1xf32>
    %add3A_24 = arith.addf %add3A_23, %div3A_21 : vector<2048x1xf32>
    %log3A_25 = math.log %add3A_24 : vector<2048x1xf32>
    %neg3A_26 = arith.constant 0.000000e+00 : f32
    %neg3A_27 = vector.broadcast %neg3A_26 : f32 to vector<2048x1xf32>
    %neg3A_28 = arith.subf %neg3A_27, %log3A_25 : vector<2048x1xf32>
    %mul3A_29 = arith.mulf %get3A_14, %neg3A_28 : vector<2048x1xf32>
    %le3A = vector.broadcast %mul3A : vector<1x2048xf32> to vector<2048x2048xf32>
    %le3A_30 = vector.broadcast %mul3A_29 : vector<2048x1xf32> to vector<2048x2048xf32>
    %le3A_31 = arith.cmpf ole, %le3A, %le3A_30 : vector<2048x2048xf32>
    %convert_element_type3A = arith.extui %le3A_31 : vector<2048x2048xi1> to vector<2048x2048xi32>
    %convert_element_type3A_32 = arith.sitofp %convert_element_type3A : vector<2048x2048xi32> to vector<2048x2048xf32>
    %reduce_sum3A = arith.constant dense<0.000000e+00> : vector<2048xf32>
    %reduce_sum3A_33 = vector.multi_reduction <add>, %convert_element_type3A_32, %reduce_sum3A [1] : vector<2048x2048xf32> to vector<2048xf32>
    %broadcast_in_dim3A = vector.shape_cast %reduce_sum3A_33 : vector<2048xf32> to vector<2048x1xf32>
    %ge3A = arith.constant 4.100000e+02 : f32
    %ge3A_34 = vector.broadcast %ge3A : f32 to vector<2048x1xf32>
    %ge3A_35 = arith.cmpf oge, %broadcast_in_dim3A, %ge3A_34 : vector<2048x1xf32>
    %jit3A = arith.constant 0x7F800000 : f32
    %broadcast_in_dim3A_36 = vector.broadcast %jit3A : f32 to vector<2048x1xf32>
    %select_n3A = arith.select %ge3A_35, %mul3A_29, %broadcast_in_dim3A_36 : vector<2048x1xi1>, vector<2048x1xf32>
    %reduce_min3A = vector.shape_cast %select_n3A : vector<2048x1xf32> to vector<1x2048x1xf32>
    %reduce_min3A_37 = arith.constant dense<0x7F800000> : vector<1xf32>
    %reduce_min3A_38 = vector.multi_reduction <minimumf>, %reduce_min3A, %reduce_min3A_37 [1, 2] : vector<1x2048x1xf32> to vector<1xf32>
    %reduce_min3A_39 = vector.shape_cast %reduce_min3A_38 : vector<1xf32> to vector<1x1x1xf32>
    %reduce_min3A_40 = vector.extract %reduce_min3A_39[0, 0, 0] : f32 from vector<1x1x1xf32>
    %broadcast_in_dim3A_41 = vector.broadcast %reduce_min3A_40 : f32 to vector<1x1xf32>
    %gt3A = vector.broadcast %broadcast_in_dim3A_41 : vector<1x1xf32> to vector<1x2048xf32>
    %gt3A_42 = arith.cmpf ogt, %mul3A, %gt3A : vector<1x2048xf32>
    %jit3A_43 = arith.constant 0.000000e+00 : f32
    %broadcast_in_dim3A_44 = vector.broadcast %jit3A_43 : f32 to vector<1x2048xf32>
    %select_n3A_45 = arith.select %gt3A_42, %mul3A, %broadcast_in_dim3A_44 : vector<1x2048xi1>, vector<1x2048xf32>
    %reduce_sum3A_46 = arith.constant dense<0.000000e+00> : vector<1xf32>
    %reduce_sum3A_47 = vector.multi_reduction <add>, %select_n3A_45, %reduce_sum3A_46 [1] : vector<1x2048xf32> to vector<1xf32>
    %broadcast_in_dim3A_48 = vector.shape_cast %reduce_sum3A_47 : vector<1xf32> to vector<1x1xf32>
    %get3A_49 = arith.constant 0 : index
    %get3A_50 = arith.constant 0 : index
    %get3A_51 = vector.load %arg2[%get3A_49, %get3A_50] : memref<1x2048xf32, #tpu.memory_space<vmem>>, vector<1x2048xf32>
    %jit3A_52 = arith.constant 0.000000e+00 : f32
    %broadcast_in_dim3A_53 = vector.broadcast %jit3A_52 : f32 to vector<1x2048xf32>
    %select_n3A_54 = arith.select %gt3A_42, %get3A_51, %broadcast_in_dim3A_53 : vector<1x2048xi1>, vector<1x2048xf32>
    %reduce_sum3A_55 = arith.constant dense<0.000000e+00> : vector<1xf32>
    %reduce_sum3A_56 = vector.multi_reduction <add>, %select_n3A_54, %reduce_sum3A_55 [1] : vector<1x2048xf32> to vector<1xf32>
    %broadcast_in_dim3A_57 = vector.shape_cast %reduce_sum3A_56 : vector<1xf32> to vector<1x1xf32>
    %add3A_58 = arith.constant 1.000000e+00 : f32
    %add3A_59 = vector.broadcast %add3A_58 : f32 to vector<1x1xf32>
    %add3A_60 = arith.addf %add3A_59, %broadcast_in_dim3A_57 : vector<1x1xf32>
    %div3A_61 = arith.divf %broadcast_in_dim3A_48, %add3A_60 : vector<1x1xf32>
    %swap3A = arith.constant 0 : index
    %swap3A_62 = arith.constant 0 : index
    %swap3A_63 = vector.load %arg6[%swap3A, %swap3A_62] : memref<1x1xf32, #tpu.memory_space<vmem>>, vector<1x1xf32>
    tpu.vector_store %arg6[%swap3A, %swap3A_62], %div3A_61 {strides = array<i32>} : memref<1x1xf32, #tpu.memory_space<vmem>>, vector<1x1xf32>,
    return
  }
}

</mosaic_0001>

<sc_bundles>
// kernel: kernel.6.cloned.1.call-start
scs
__scs_entry_jumppad:
0x0: {  	(pc) =	sbr.rel $0x88, $3  }
0x1: {  	(tag) =	ssettag $0x0;
	lr =	simm.s32 $0x1  }
0x2: {  	[smem:$0x3F9E] =	sst lr;
	_ =	strace $0xD0000000  }
0x3: {  	_ = 	snop  }
0x4: {  	_ = 	snop  }
0x5: {  	_ = 	snop  }
0x6: {  	_ = 	snop  }
0x7: {  	_ = 	snop  }
__scs_overlays_trampoline_lowered:
0x8: {  	[smem:$0x3FAD] =	sst s0  }
0x9: {  	[smem:$0x3FAE] =	sst s1  }
0xa: {  	[smem:$0x3FAF] =	sst s2  }
0xb: {  	[smem:$0x3FB0] =	sst s3  }
0xc: {  	[smem:$0x3FB1] =	sst s4  }
0xd: {  	[smem:$0x3FB2] =	sst s5  }
0xe: {  	[smem:$0x3FB3] =	sst s6  }
0xf: {  	[smem:$0x3FB4] =	sst s7  }
0x10: {  	[smem:$0x3FB5] =	sst s8  }
0x11: {  	[smem:$0x3FB6] =	sst s9;
	s0 =	simm.s32 @!p0 $0x0  }
0x12: {  	s1 =	sld [smem:$0x3F9C];
	s0 =	simm.s32 @p0 $0x1  }
0x13: {  	[smem:$0x3FB7] =	sst s0;
	s0 =	simm.s32 @!p1 $0x0  }
0x14: {  	s2 =	sld [smem:$0x3F9B];
	s0 =	simm.s32 @p1 $0x1  }
0x15: {  	[smem:$0x3FB8] =	sst s0;
	s0 =	simm.s32 @!p2 $0x0  }
0x16: {  	s3 =	sld [smem:$0x3FDB];
	s0 =	simm.s32 @p2 $0x1  }
0x17: {  	s4 =	simm.s32 $0x1BF5;
	[smem:$0x3FBA] =	sst s0  }
0x18: {  	s0 =	sld [smem:$0x3F9D];
	_ =	swait.ge [sflag:s4], $0x0  }
0x19: {  	s7 =	sld [smem:$0x3F9E]  }
0x1a: {  	s8 =	sadd.s32 $0xFFFFE003, lr  }
0x1b: {  	s9 =	sadd.s32 $0xFFFFFEF7, lr;
	s5 =	simm.s32 $0xFFFFFFFF;
	p2 =	slt.u32 s8, $0xFFFFF086  }
0x1c: {  	p1 =	slt.u32 s9, $0xF7A;
	s5 =	simm.s32 @!p2 $0x0  }
0x1d: {  	s5 =	simm.s32 @p1 $0x1;
	p0 =	seq.s32 s7, s2  }
0x1e: {  	s7 =	smul.u32 @!p0 $0xF7A, s2;
	p2 =	seq.s32 @!p0 s5, $0x0  }
0x1f: {  	s9 =	smul.u32 $0xF7A, s1;
	s8 =	simm.s32 @!p0 $0x1BF5;
	p2 =	por !p2, p0  }
0x20: {  	[sflag:s8] =	ssyncset.s32 @!p0 $0xFFFFF086;
	s6 =	sadd.s32 @!p0 s3, s7;
	s7 =	simm.s32 @!p0 $0x108  }
0x21: {  	s3 =	sadd.s32 s3, s9;
	s6 =	sadd.s32 @!p0 $0x88, s6;
	s7 =	simm.s32 @p2 $0x1082  }
0x22: {  	[simem:s7], [sflag:s8] =	dma.local @!p0 [hbm:s6], $0xF7A  }
0x23: {  	s9 =	sor.u32 $0xD0000000, s2;
	s6 =	simm.s32 $0x108;
	_ =	swait.ge @!p0 [sflag:s8], $0x0  }
0x24: {  	s3 =	sadd.s32 $0x88, s3;
	s6 =	simm.s32 @!p1 $0x1082;
	[sflag:s4] =	ssyncset.s32 $0xFFFFF086  }
0x25: {  	[simem:s6], [sflag:s4] =	dma.local [hbm:s3], $0xF7A  }
0x26: {  	[smem:$0x3F9E] =	sst s1;
	(tag) =	ssettag s2;
	_ =	strace s9  }
0x27: {  	s1 =	sld [smem:$0x3FAE]  }
0x28: {  	s2 =	sld [smem:$0x3FAF]  }
0x29: {  	s4 =	sld [smem:$0x3FB1]  }
0x2a: {  	p0 =	seq.s32 s5, $0x0;
	s5 =	sld [smem:$0x3FB2]  }
0x2b: {  	s6 =	sld [smem:$0x3FB3]  }
0x2c: {  	s7 =	sld [smem:$0x3FB4]  }
0x2d: {  	s3 =	simm.s32 $0x108;
	s8 =	sld [smem:$0x3FB5]  }
0x2e: {  	s3 =	simm.s32 @!p0 $0x1082;
	s9 =	sld [smem:$0x3FB6]  }
0x2f: {  	lr =	sadd.s32 s0, s3;
	s0 =	sld [smem:$0x3FAD]  }
0x30: {  	s3 =	sld [smem:$0x3FB0]  }
0x31: {  	[smem:$0x3FB9] =	sst s10  }
0x32: {  	s10 =	sld [smem:$0x3FB7];
	_ =	sdelay $0x3  }
0x33: {  	p0 =	seq.s32 s10, $0x1;
	s10 =	sld [smem:$0x3FB9];
	_ =	sdelay $0x3  }
0x34: {  	[smem:$0x3FB9] =	sst s10  }
0x35: {  	s10 =	sld [smem:$0x3FB8];
	_ =	sdelay $0x3  }
0x36: {  	p1 =	seq.s32 s10, $0x1;
	s10 =	sld [smem:$0x3FB9];
	_ =	sdelay $0x3  }
0x37: {  	[smem:$0x3FB9] =	sst s10  }
0x38: {  	s10 =	sld [smem:$0x3FBA]  }
0x39: {  	_ = 	snop;
	(pc) =	sbr.ind lr, $3  }
0x3a: {  	_ = 	snop  }
0x3b: {  	_ = 	snop  }
0x3c: {  	p2 =	seq.s32 s10, $0x1;
	s10 =	sld [smem:$0x3FB9]  }
0x3d: {  	_ =	shalt  }
0x3e: {  	_ =	shalt  }
0x3f: {  	_ =	shalt  }
0x40: {  	_ =	shalt  }
0x41: {  	_ =	shalt  }
0x42: {  	_ =	shalt  }
0x43: {  	_ =	shalt  }
0x44: {  	_ =	shalt  }
0x45: {  	_ =	shalt  }
0x46: {  	_ =	shalt  }
0x47: {  	_ =	shalt  }
0x48: {  	_ =	shalt  }
0x49: {  	_ =	shalt  }
0x4a: {  	_ =	shalt  }
0x4b: {  	_ =	shalt  }
0x4c: {  	_ =	shalt  }
0x4d: {  	_ =	shalt  }
0x4e: {  	_ =	shalt  }
0x4f: {  	_ =	shalt  }
0x50: {  	_ =	shalt  }
0x51: {  	_ =	shalt  }
0x52: {  	_ =	shalt  }
0x53: {  	_ =	shalt  }
0x54: {  	_ =	shalt  }
0x55: {  	_ =	shalt  }
0x56: {  	_ =	shalt  }
0x57: {  	_ =	shalt  }
0x58: {  	_ =	shalt  }
0x59: {  	_ =	shalt  }
0x5a: {  	_ =	shalt  }
0x5b: {  	_ =	shalt  }
0x5c: {  	_ =	shalt  }
0x5d: {  	_ =	shalt  }
0x5e: {  	_ =	shalt  }
0x5f: {  	_ =	shalt  }
0x60: {  	_ =	shalt  }
0x61: {  	_ =	shalt  }
0x62: {  	_ =	shalt  }
0x63: {  	_ =	shalt  }
0x64: {  	_ =	shalt  }
0x65: {  	_ =	shalt  }
0x66: {  	_ =	shalt  }
0x67: {  	_ =	shalt  }
0x68: {  	_ =	shalt  }
0x69: {  	_ =	shalt  }
0x6a: {  	_ =	shalt  }
0x6b: {  	_ =	shalt  }
0x6c: {  	_ =	shalt  }
0x6d: {  	_ =	shalt  }
0x6e: {  	_ =	shalt  }
0x6f: {  	_ =	shalt  }
0x70: {  	_ =	shalt  }
0x71: {  	_ =	shalt  }
0x72: {  	_ =	shalt  }
0x73: {  	_ =	shalt  }
0x74: {  	_ =	shalt  }
0x75: {  	_ =	shalt  }
0x76: {  	_ =	shalt  }
0x77: {  	_ =	shalt  }
0x78: {  	_ =	shalt  }
0x79: {  	_ =	shalt  }
0x7a: {  	_ =	shalt  }
0x7b: {  	_ =	shalt  }
0x7c: {  	_ =	shalt  }
0x7d: {  	_ =	shalt  }
0x7e: {  	_ =	shalt  }
0x7f: {  	_ =	shalt  }
0x80: {  	_ =	shalt  }
0x81: {  	_ =	shalt  }
0x82: {  	_ =	shalt  }
0x83: {  	_ =	shalt  }
0x84: {  	_ =	shalt  }
0x85: {  	_ =	shalt  }
0x86: {  	_ =	shalt  }
0x87: {  	_ =	shalt  }
.Lfunc_end0:
.L_simem_size_0:
called_computation.1_lowered:
.L_overlay_start_0:
0x88: {  	s2 =	sld [smem:$0x3FD9]  }
0x89: {  	s3 =	sld [smem:$0x3FFE];
	_ =	sdelay $0x1  }
0x8a: {  	s1 =	srdreg.scid  }
0x8b: {  	s0 =	sand.u32 $0x1, s1  }
0x8c: {  	s17 =	sshll.u32 s0, $0xA;
	s2 =	sadd.s32 s3, s2  }
0x8d: {  	s2 =	sadd.s32 s2, s17  }
0x8e: {  	[smem:$0x3FC5] =	sst s2  }
0x8f: {  	_ = 	snop  }
0x90: {  	(tm) =	ssettm $0x1  }
0x91: {  	s18 =	sld [smem:$0x3FFB];
	_ =	sdelay $0x3  }
0x92: {  	_ =	strace s18  }
0x93: {  	s2 =	sld [smem:$0x3FFC];
	_ =	sdelay $0x3  }
0x94: {  	_ =	strace s2  }
0x95: {  	s2 =	sld [smem:$0x3FFD];
	_ =	sdelay $0x3  }
0x96: {  	_ =	strace s2  }
0x97: {  	_ =	strace $0x8FFFFFFF  }
0x98: {  	s19 =	sld [smem:$0x3FDB];
	_ =	sdelay $0x1  }
0x99: {  	s20 =	simm.s32 $_scs_section_size  }
0x9a: {  	s4 =	simm.s32 $_size__tile_overlayer_lowered;
	s5 =	simm.s32 $_tile_overlayer_lowered  }
0x9b: {  	s6 =	simm.s32 $0x1BFF;
	s21 =	sshll.u32 s5, $0x1;
	s3 =	sadd.s32 s20, s19  }
0x9c: {  	s22 =	simm.s32 $0x0;
	s4 =	sshll.u32 s4, $0x1;
	s5 =	sadd.s32 s21, s3  }
0x9d: {  	[timem:s22], [sflag:s6] =	dma.local [hbm:s5], s4  }
0x9e: {  	_ =	swait.ge [sflag:s6], s4  }
0x9f: {  	s4 =	ssub.s32 $0x0, s4;
	[sflag:s6] =	ssyncset.done $0x0  }
0xa0: {  	[sflag:s6] =	ssyncadd.s32 s4;
	_ =	sdelay $0x1  }
0xa1: {  	s23 =	simm.s32 $0x1B8B  }
0xa2: {  	_ =	swait.ge [sflag:s23], $0x1  }
0xa3: {  	[sflag:s23] =	ssyncset.done $0x0  }
0xa4: {  	[sflag:s23] =	ssyncadd.s32 $0xFFFFFFFF  }
0xa5: {  	s4 =	sld [smem:$0x0]  }
0xa6: {  	s5 =	sand.u32 $0xFFFFFFFE, s1  }
0xa7: {  	p0 =	sne.s32 s1, s5  }
0xa8: {  	s5 =	sshll.u32 @p0 s5, $0xE  }
0xa9: {  	s5 =	sadd.s32 @p0 $0x11B8D, s5;
	s6 =	sshll.u32 @p0 s4, $0x11  }
0xaa: {  	s5 =	sor.u32 @p0 s6, s5  }
0xab: {  	[sflag:s5] =	ssyncadd.remote.s32 @p0 $0x1;
	_ =	sdelay $0x1  }
0xac: {  	s5 =	simm.s32 @p0 $0x1B8D  }
0xad: {  	_ =	swait.eq @p0 [sflag:s5], $0x1  }
0xae: {  	[sflag:s5] =	ssyncadd.s32 @p0 $0xFFFFFFFF  }
0xaf: {  	s6 =	sshll.u32 @!p0 s1, $0xE  }
0xb0: {  	s6 =	sor.u32 @!p0 $0x4000, s6;
	s5 =	simm.s32 @!p0 $0x1B8D  }
0xb1: {  	s4 =	sshll.u32 @!p0 s4, $0x11;
	s6 =	sadd.s32 @!p0 $0x11B8D, s6;
	_ =	swait.eq @!p0 [sflag:s5], $0x1  }
0xb2: {  	s4 =	sor.u32 @!p0 s4, s6;
	[sflag:s5] =	ssyncadd.s32 @!p0 $0xFFFFFFFF  }
0xb3: {  	s25 =	simm.s32 $0x1B8E;
	s24 =	sld [smem:$0x3FFE];
	[sflag:s4] =	ssyncadd.remote.s32 @!p0 $0x1  }
0xb4: {  	s26 =	simm.s32 $execute0_lowered;
	[smem:$0x3FD2] =	sst s25  }
0xb5: {  	s5 =	sshll.u32 s26, $0x1;
	_ =	strace $0x80000049;
	[dreg:$0x1] =	wrdreg $0xFFFFFFFF  }
0xb6: {  	s28 =	simm.s32 $_size_execute0_lowered;
	s3 =	sadd.s32 s3, s5;
	[dreg:$0x0] =	wrdreg $0x0  }
0xb7: {  	s5 =	sshll.u32 s28, $0x1;
	[dreg:$0x2] =	wrdreg s3  }
0xb8: {  	[dreg:$0x3] =	wrdreg s5  }
0xb9: {  	[dreg:$0x4] =	wrdreg $0xC0  }
0xba: {  	_ =	task [dreg:s22], $0x5FFFF  }
0xbb: {  	[dreg:$0x1] =	wrdreg $0xFFFFFFFF  }
0xbc: {  	[dreg:$0x0] =	wrdreg $0x60  }
0xbd: {  	[dreg:$0x2] =	wrdreg s24  }
0xbe: {  	[dreg:$0x3] =	wrdreg $0xA  }
0xbf: {  	_ =	task.clear_ibuf [dreg:s22], $0x4FFFF;
	_ =	strace $0x90000049  }
0xc0: {  	s29 =	simm.s32 $0xA;
	_ =	strace $0x8000004B  }
0xc1: {  	_ =	swait.ge [sflag:s29], $0x1  }
0xc2: {  	[sflag:s29] =	ssyncadd.s32 $0xFFFFFFFF  }
0xc3: {  	_ =	strace $0x9000004B  }
0xc4: {  	_ =	sfence  }
0xc5: {  	s30 =	sld [smem:$0x0];
	_ =	sdelay $0x2  }
0xc6: {  	s31 =	sshll.u32 s1, $0xD;
	s1 =	sshrl.u32 s1, $0x2  }
0xc7: {  	s4 =	sand.u32 $0x4000, s31;
	s1 =	sadd.s32 s1, s30  }
0xc8: {  	s0 =	sor.u32 s4, s0;
	s1 =	sshll.u32 s1, $0x11  }
0xc9: {  	s0 =	sor.u32 s1, s0  }
0xca: {  	s0 =	sadd.s32 $0x8F2B, s0  }
0xcb: {  	[sflag:s0] =	ssyncadd.remote.s32 $0x1  }
0xcc: {  	_ =	sfence.sel $0xFFFF  }
0xcd: {  	[dreg:$0x0] =	wrdreg $0xFFFFFFFF;
	(pc) =	sbr.abs _section_cstart, $3  }
0xce: {  	[dreg:$0x1] =	wrdreg $0xFFFFFFFF  }
0xcf: {  	_ =	task.clear_ibuf [dreg:s22], $0x2FFFF;
	_ =	strace $0x9FFFFFFF  }
0xd0: {  	(tm) =	ssettm $0x7FFFFFFF  }
0xd1: {  	_ =	shalt  }
tec
execute0_lowered:
.L_overlay_start_1:
0x0: {  	(tag) =	ssettag $0x1  }
0x1: {  	s1 =	srdreg.scid  }
0x2: {  	s0 =	stileid.u32;
	s5 =	sand.u32 $0x1, s1  }
0x3: {  	s6 =	rddreg [dreg:$0x0];
	s3 =	sshll.u32 s0, $0x4;
	s4 =	sshll.u32 s5, $0x3  }
0x4: {  	s2 =	simm.s32 $0x0;
	s1 =	rddreg [dreg:$0x1];
	s3 =	sor.u32 s4, s3  }
0x5: {  	[smem:$0x7FF] =	sst s2;
	s10 =	sadd.s32 s3, s6  }
0x6: {  	_ =	strace $0x8000004A;
	s3 =	simm.s32 $0x2;
	s4 =	sadd.s32 $0x686200, s10  }
0x7: {  	[tilespmem:s2], [sflag:$0x2] =	stream.linear.gather [hbm4b:s4+s2], $0x40, $0x38;
	[tilespmem:$0x180] =	vst v63  }
0x8: {  	_ =	swait.ge [sflag:s3], $0x40  }
0x9: {  	[sflag:s3] =	ssyncset.done $0x0  }
0xa: {  	[sflag:s3] =	ssyncadd.s32 $0xFFFFFFC0  }
0xb: {  	v1 =	vld [tilespmem:$0x30]  }
0xc: {  	s7 =	sshrl.u32 s0, $0x1;
	v2 =	vld [tilespmem:$0x20]  }
0xd: {  	s7 =	smul.u32 $0x5000, s7;
	v3 =	vld [tilespmem:$0x0]  }
0xe: {  	v4 =	vld [tilespmem:$0x10]  }
0xf: {  	s31 =	ssub.s32 $0x2, s5;
	v0 =	vmov s7  }
0x10: {  	s8 =	sshrl.u32 s31, $0x1;
	v1 =	vadd.s32 v0, v1  }
0x11: {  	s11 =	ssub.s32 s31, s8;
	v2 =	vadd.s32 v0, v2;
	[tilespmem:$0xB0] =	vst v1  }
0x12: {  	s9 =	simm.s32 $0x1;
	s11 =	smax.u32 s11, $0x1;
	v1 =	vadd.s32 v0, v3;
	[tilespmem:$0xA0] =	vst v2  }
0x13: {  	s5 =	sadd.s32 $0x681200, s6;
	s6 =	simm.s32 $0x40;
	p0 =	sne.s32 s11, $0x1;
	[tilespmem:$0x80] =	vst v1;
	v1 =	vadd.s32 v0, v4  }
.Ltmp0:
0x14: {  	s8 =	simm.s32 $0x80;
	s7 =	simm.s32 $0x100;
	[tilespmem:$0x90] =	vst v1;
	(pc) =	sbr.rel @!p0 .LBB2_2-.Ltmp0, $4  }
0x15: {  	[tilespmem:s7], [sflag:$0x1] =	stream.indirect.gather [hbm4b:s5+s6], $0x1, s8, s6, $0xb8;
	[tilespmem:$0x180] =	vst v63  }
0x16: {  	_ =	swait.ge [sflag:s9], $0x40  }
0x17: {  	[sflag:s9] =	ssyncset.done $0x0  }
0x18: {  	s10 =	sadd.s32 $0x686400, s10;
	s11 =	sadd.s32 $0xFFFFFFFF, s11;
	[sflag:s9] =	ssyncadd.s32 $0xFFFFFFC0  }
.LBB2_1:
0x19: {  	[hbm4b:s10+s2] =	stream.linear.scatter [tilespmem:s7], [sflag:$0x2], $0x40, $0x38;
	[tilespmem:$0x180] =	vst v63  }
0x1a: {  	p0 =	sne.s32 s11, $0x1;
	s11 =	sadd.s32 $0xFFFFFFFF, s11;
	_ =	swait.ge [sflag:s3], $0x40  }
0x1b: {  	[sflag:s3] =	ssyncset.done $0x0  }
0x1c: {  	[sflag:s3] =	ssyncadd.s32 $0xFFFFFFC0  }
0x1d: {  	[tilespmem:s2], [sflag:$0x2] =	stream.linear.gather [hbm4b:s4+s2], $0x40, $0x38;
	[tilespmem:$0x180] =	vst v63  }
0x1e: {  	_ =	swait.ge [sflag:s3], $0x40  }
0x1f: {  	[sflag:s3] =	ssyncset.done $0x0  }
0x20: {  	[sflag:s3] =	ssyncadd.s32 $0xFFFFFFC0  }
0x21: {  	v1 =	vld [tilespmem:$0x30]  }
0x22: {  	v2 =	vld [tilespmem:$0x20]  }
0x23: {  	v3 =	vld [tilespmem:$0x0]  }
0x24: {  	v4 =	vld [tilespmem:$0x10];
	_ =	sdelay $0x1  }
0x25: {  	v1 =	vadd.s32 v0, v1  }
0x26: {  	v2 =	vadd.s32 v0, v2;
	[tilespmem:$0xB0] =	vst v1  }
0x27: {  	v1 =	vadd.s32 v0, v3;
	[tilespmem:$0xA0] =	vst v2  }
0x28: {  	[tilespmem:$0x80] =	vst v1;
	v1 =	vadd.s32 v0, v4  }
.Ltmp1:
0x29: {  	[tilespmem:$0x90] =	vst v1;
	(pc) =	sbr.rel @p0 .LBB2_1-.Ltmp1, $4  }
0x2a: {  	[tilespmem:s7], [sflag:$0x1] =	stream.indirect.gather [hbm4b:s5+s6], $0x1, s8, s6, $0xb8;
	[tilespmem:$0x180] =	vst v63  }
0x2b: {  	_ =	swait.ge [sflag:s9], $0x40  }
0x2c: {  	[sflag:s9] =	ssyncset.done $0x0  }
0x2d: {  	[sflag:s9] =	ssyncadd.s32 $0xFFFFFFC0  }
.LBB2_2:
0x2e: {  	[hbm4b:s10+s2] =	stream.linear.scatter [tilespmem:s7], [sflag:$0x2], $0x40, $0x38;
	[tilespmem:$0x180] =	vst v63  }
0x2f: {  	_ =	swait.ge [sflag:s3], $0x40  }
0x30: {  	[sflag:s3] =	ssyncset.done $0x0  }
0x31: {  	[sflag:s3] =	ssyncadd.s32 $0xFFFFFFC0  }
0x32: {  	_ =	sfence.sel $0x180000  }
0x33: {  	[bflag:$0x0] =	sbarrier.arrive $0xFFFF  }
0x34: {  	p0 =	sne.s32 s0, $0x0;
	_ =	strace $0x9000004A  }
0x35: {  	s0 =	sadd.s32 @!p0 $0x100000, s1;
	[bflag:$0x2] =	sbarrier.arrive $0xFFFF  }
0x36: {  	[sflag:s0] =	ssyncadd.tile.s32 @!p0 $0x1;
	_ =	shalt  }
.Lfunc_end2:
_tile_overlayer_lowered:
.L_overlay_start_2:
0x37: {  	(tag) =	ssettag $0x2  }
0x38: {  	s0 =	rddreg [dreg:$0x0];
	s2 =	stileid.u32  }
0x39: {  	s1 =	rddreg [dreg:$0x1];
	p0 =	sne.s32 s2, $0x0  }
0x3a: {  	s3 =	rddreg [dreg:$0x2];
	[bflag:$0x3] =	sbarrier.arrive $0xFFFF;
	s2 =	simm.s32 @!p0 $0x1C02  }
0x3b: {  	[timem:s3], [sflag:s2] =	dma.local @!p0 [hbm:s0], s1  }
0x3c: {  	s0 =	simm.s32 @!p0 $0x2  }
0x3d: {  	_ =	swait.ge @!p0 [sflag:s0], s1  }
0x3e: {  	s1 =	ssub.s32 @!p0 $0x0, s1;
	[sflag:s0] =	ssyncset.done @!p0 $0x0  }
0x3f: {  	[sflag:s0] =	ssyncadd.s32 @!p0 s1  }
0x40: {  	[bflag:$0x3] =	sbarrier.arrive $0xFFFF  }
0x41: {  	_ =	shalt  }

// kernel: sparse-core-data-format-call.cloned.1.call-start
scs
called_computation_lowered:
.L_overlay_start_0:
0x0: {  	s1 =	sld [smem:$0x3FD9]  }
0x1: {  	s2 =	sld [smem:$0x3FFE];
	_ =	sdelay $0x1  }
0x2: {  	s3 =	srdreg.scid  }
0x3: {  	s0 =	sand.u32 $0x1, s3  }
0x4: {  	s17 =	sshll.u32 s0, $0xA;
	s1 =	sadd.s32 s2, s1  }
0x5: {  	s1 =	sadd.s32 s1, s17  }
0x6: {  	[smem:$0x3FC5] =	sst s1  }
0x7: {  	_ = 	snop  }
0x8: {  	(tm) =	ssettm $0x1  }
0x9: {  	s18 =	sld [smem:$0x3FFB];
	_ =	sdelay $0x3  }
0xa: {  	_ =	strace s18  }
0xb: {  	s1 =	sld [smem:$0x3FFC];
	_ =	sdelay $0x3  }
0xc: {  	_ =	strace s1  }
0xd: {  	s1 =	sld [smem:$0x3FFD];
	_ =	sdelay $0x3  }
0xe: {  	_ =	strace s1  }
0xf: {  	_ =	strace $0x8FFFFFFF  }
0x10: {  	s19 =	sld [smem:$0x3FDB];
	_ =	sdelay $0x1  }
0x11: {  	s20 =	simm.s32 $_scs_section_size  }
0x12: {  	s4 =	simm.s32 $_size__tile_overlayer_lowered;
	s5 =	simm.s32 $_tile_overlayer_lowered  }
0x13: {  	s23 =	simm.s32 $0x1BFF;
	s22 =	sshll.u32 s5, $0x1;
	s1 =	sadd.s32 s20, s19  }
0x14: {  	s6 =	simm.s32 $0x0;
	s21 =	sshll.u32 s4, $0x1;
	s4 =	sadd.s32 s22, s1  }
0x15: {  	[timem:s6], [sflag:s23] =	dma.local [hbm:s4], s21  }
0x16: {  	_ =	swait.ge [sflag:s23], s21  }
0x17: {  	s2 =	ssub.s32 $0x0, s21;
	[sflag:s23] =	ssyncset.done $0x0  }
0x18: {  	[sflag:s23] =	ssyncadd.s32 s2;
	_ =	sdelay $0x1  }
0x19: {  	s24 =	simm.s32 $0x1B8B  }
0x1a: {  	_ =	swait.ge [sflag:s24], $0x1  }
0x1b: {  	[sflag:s24] =	ssyncset.done $0x0  }
0x1c: {  	s26 =	simm.s32 $0x1B8E;
	s25 =	sld [smem:$0x3FFE];
	[sflag:s24] =	ssyncadd.s32 $0xFFFFFFFF  }
0x1d: {  	s27 =	simm.s32 $execute0_lowered;
	[smem:$0x3FD2] =	sst s26  }
0x1e: {  	s4 =	sshll.u32 s27, $0x1;
	_ =	strace $0x80000046;
	[dreg:$0x1] =	wrdreg $0xFFFFFFFF  }
0x1f: {  	s28 =	simm.s32 $_size_execute0_lowered;
	s1 =	sadd.s32 s1, s4;
	[dreg:$0x0] =	wrdreg $0x0  }
0x20: {  	s4 =	sshll.u32 s28, $0x1;
	[dreg:$0x2] =	wrdreg s1  }
0x21: {  	[dreg:$0x3] =	wrdreg s4  }
0x22: {  	[dreg:$0x4] =	wrdreg $0xC0  }
0x23: {  	_ =	task [dreg:s6], $0x5FFFF  }
0x24: {  	[dreg:$0x1] =	wrdreg $0xFFFFFFFF  }
0x25: {  	[dreg:$0x0] =	wrdreg $0x60  }
0x26: {  	[dreg:$0x2] =	wrdreg s25  }
0x27: {  	[dreg:$0x3] =	wrdreg $0x9  }
0x28: {  	_ =	task.clear_ibuf [dreg:s6], $0x4FFFF;
	_ =	strace $0x90000046  }
0x29: {  	s29 =	simm.s32 $0x9;
	_ =	strace $0x80000048  }
0x2a: {  	_ =	swait.ge [sflag:s29], $0x1  }
0x2b: {  	[sflag:s29] =	ssyncadd.s32 $0xFFFFFFFF  }
0x2c: {  	_ =	strace $0x90000048  }
0x2d: {  	_ =	sfence  }
0x2e: {  	s30 =	sld [smem:$0x0];
	_ =	sdelay $0x2  }
0x2f: {  	s31 =	sshll.u32 s3, $0xD;
	s3 =	sshrl.u32 s3, $0x2  }
0x30: {  	s2 =	sand.u32 $0x4000, s31;
	s1 =	sadd.s32 s3, s30  }
0x31: {  	s0 =	sor.u32 s2, s0;
	s1 =	sshll.u32 s1, $0x11  }
0x32: {  	s0 =	sor.u32 s1, s0  }
0x33: {  	s0 =	sadd.s32 $0x8F2B, s0  }
0x34: {  	[sflag:s0] =	ssyncadd.remote.s32 $0x1  }
0x35: {  	_ =	sfence.sel $0xFFFF  }
0x36: {  	[dreg:$0x0] =	wrdreg $0xFFFFFFFF;
	(pc) =	sbr.abs _section_cstart, $3  }
0x37: {  	[dreg:$0x1] =	wrdreg $0xFFFFFFFF  }
0x38: {  	_ =	task.clear_ibuf [dreg:s6], $0x2FFFF;
	_ =	strace $0x9FFFFFFF  }
0x39: {  	(tm) =	ssettm $0x7FFFFFFF  }
tec
execute0_lowered:
.L_overlay_start_1:
0x0: {  	(tag) =	ssettag $0x1  }
0x1: {  	s3 =	rddreg [dreg:$0x0]  }
0x2: {  	s0 =	rddreg [dreg:$0x1]  }
0x3: {  	s1 =	srdreg.scid;
	_ =	strace $0x80000047;
	s7 =	simm.s32 $0x2  }
0x4: {  	s12 =	simm.s32 $0x0;
	p0 =	por $0x0, $0x0;
	s13 =	simm.s32 $0x0  }
0x5: {  	s14 =	simm.s32 $0x0;
	s9 =	simm.s32 $0x0;
	s8 =	simm.s32 $0x0  }
.Ltmp0:
0x6: {  	s4 =	sshll.u32 s1, $0x4;
	s2 =	sadd.s32 $0x1200, s3;
	(pc) =	sbr.rel .LBB1_1-.Ltmp0, $4  }
0x7: {  	s1 =	stileid.u32;
	s3 =	sadd.s32 $0x281200, s3;
	s4 =	sand.u32 $0x10, s4  }
0x8: {  	s5 =	sand.u32 $0x3, s1;
	s6 =	sor.u32 s1, s4;
	s4 =	simm.s32 $0x1  }
0x9: {  	s11 =	smov.u32 s5;
	[sflag:s4] =	ssyncpa.u1 $0x0;
	s6 =	sshrl.u32 s6, $0x2  }
0xa: {  	[sflag:s7] =	ssyncpa.u1 $0x0;
	s7 =	simm.s32 $0x800;
	s10 =	smov.u32 s6  }
.LBB1_5:
0xb: {  	s15 =	sadd.s32 $0x80, s9  }
0xc: {  	s12 =	sadd.s32 $0x8, s10;
	s16 =	smov.u32 s10;
	p2 =	sgt.s32 s15, $0x9F  }
0xd: {  	s16 =	smov.u32 @p2 s12  }
0xe: {  	s18 =	smov.u32 s11;
	s12 =	sadd.s32 $0x4, s11;
	p3 =	sgt.s32 s16, $0xFF  }
0xf: {  	p1 =	slt.u32 s8, $0x2;
	s18 =	smov.u32 @p3 s12  }
0x10: {  	s8 =	sadd.s32 $0x1, s8;
	s15 =	simm.s32 @p2 $0x0;
	p2 =	sgt.s32 s18, $0x3  }
0x11: {  	s18 =	smov.u32 @p2 s5;
	p2 =	sne.s32 s8, $0x42  }
.Ltmp1:
0x12: {  	s17 =	simm.s32 @!p1 $0x2;
	(pc) =	sbr.rel @!p2 .LBB1_6-.Ltmp1, $4  }
0x13: {  	s13 =	smov.u32 s10;
	_ =	swait.ge @!p1 [sflag:s17], $0x4000  }
0x14: {  	s14 =	smov.u32 s11;
	p0 =	por !p0, !p0;
	[sflag:s17] =	ssyncset.done @!p1 $0x0  }
0x15: {  	s16 =	smov.u32 @p3 s6;
	s12 =	smov.u32 s9;
	[sflag:s17] =	ssyncadd.s32 @!p1 $0xFFFFC000  }
0x16: {  	s9 =	smov.u32 s15;
	s10 =	smov.u32 s16;
	s11 =	smov.u32 s18  }
.LBB1_1:
0x17: {  	p1 =	sgt.u32 s8, $0x3F  }
0x18: {  	s17 =	smov.u32 s11;
	s15 =	sand.u32 @!p1 $0x1FFFFFF, s9;
	p2 =	sgt.s32 @!p1 s11, $0x3  }
0x19: {  	s18 =	sshra.s32 @!p1 s11, $0x1F;
	s19 =	sshra.s32 @!p1 s10, $0x1F;
	s16 =	smulhi.u32 @!p1 $0x199999A, s15  }
0x1a: {  	p2 =	por !p2, p1;
	s18 =	sand.u32 @!p1 s18, s11;
	s19 =	sand.u32 @!p1 s19, s10  }
0x1b: {  	s17 =	simm.s32 @p2 $0x3;
	p2 =	sgt.s32 @!p1 s10, $0xFF;
	s16 =	smul.u32 @!p1 $0xA0, s16  }
0x1c: {  	s17 =	ssub.s32 @!p1 s17, s18;
	p2 =	por !p2, p1;
	s18 =	smov.u32 s10  }
0x1d: {  	s18 =	simm.s32 @p2 $0xFF;
	p2 =	sgt.s32 @!p1 s9, $0x20;
	s17 =	sadd.s32 @!p1 $0xFFFFFFFD, s17  }
0x1e: {  	s18 =	ssub.s32 @!p1 s18, s19;
	p2 =	por !p2, p1;
	s19 =	smov.u32 s9  }
0x1f: {  	p3 =	sgt.s32 @!p1 s17, $0x0;
	s17 =	sshll.u32 @!p1 s17, $0x7;
	s20 =	sadd.s32 @!p1 $0xFFFFFF01, s18  }
0x20: {  	s19 =	simm.s32 @p2 $0x20;
	p2 =	sgt.s32 @!p1 s20, $0x0;
	s20 =	sshra.s32 @!p1 s9, $0x1F  }
0x21: {  	s18 =	ssub.s32 @!p1 $0x100, s18;
	s17 =	ssub.s32 @!p1 $0x80, s17;
	s20 =	sand.u32 @!p1 s20, s9  }
0x22: {  	p3 =	por !p3, p1;
	p2 =	por !p2, p1;
	s19 =	ssub.s32 @!p1 s19, s20  }
0x23: {  	s17 =	simm.s32 @!p3 $0x0;
	s18 =	simm.s32 @!p2 $0x0;
	s20 =	sadd.s32 @!p1 $0xFFFFFFE0, s19  }
0x24: {  	s15 =	ssub.s32 @!p1 s15, s16;
	s17 =	smul.u32 @!p1 s18, s17;
	p2 =	sgt.s32 @!p1 s20, $0x7F  }
0x25: {  	s18 =	ssub.s32 @!p1 $0xA0, s19;
	s19 =	smul.u32 @!p1 $0xA0000, s11;
	p2 =	por !p2, p1  }
0x26: {  	s16 =	smul.u32 @!p1 $0xA00, s10;
	s20 =	sxor.u32 @!p1 $0xFFFFFFFF, s8;
	s18 =	simm.s32 @!p2 $0x0  }
0x27: {  	s20 =	sshll.u32 @!p1 s20, $0xE;
	s17 =	smul.u32 @!p1 s18, s17;
	s18 =	sadd.s32 @!p1 s2, s19  }
0x28: {  	s15 =	sshll.u32 @!p1 s15, $0x4;
	s19 =	sand.u32 @!p1 $0x4000, s20;
	s16 =	sadd.s32 @!p1 s16, s18  }
0x29: {  	s17 =	sand.u32 @!p1 $0x3FFFFF80, s17;
	s15 =	sadd.s32 @!p1 s15, s16;
	s16 =	simm.s32 @!p1 $0x0  }
0x2a: {  	[tilespmem:s19], [sflag:$0x1] =	stream.linear.gather @!p1 [hbm4b:s15+s16], s17, $0x38;
	[tilespmem:$0x10100] =	vst v63  }
0x2b: {  	p1 =	seq.s32 s8, $0x0  }
0x2c: {  	p2 =	seq.s32 @!p1 s8, $0x41  }
0x2d: {  	p1 =	por p1, p2  }
.Ltmp2:
0x2e: {  	_ = 	snop;
	(pc) =	sbr.rel @p1 .LBB1_5-.Ltmp2, $1  }
0x2f: {  	_ =	sdelay $0x3  }
0x30: {  	p1 =	sgt.s32 s14, $0x3  }
0x31: {  	s15 =	smov.u32 s14;
	s16 =	sshra.s32 s14, $0x1F;
	s17 =	sshra.s32 s13, $0x1F  }
0x32: {  	p2 =	sgt.s32 s12, $0x20;
	s15 =	simm.s32 @!p1 $0x3;
	s16 =	sand.u32 s16, s14  }
0x33: {  	s19 =	sshra.s32 s12, $0x1F;
	p1 =	sgt.s32 s13, $0xFF;
	s15 =	ssub.s32 s15, s16  }
0x34: {  	s17 =	sand.u32 s17, s13;
	s16 =	smov.u32 s13;
	s15 =	sadd.s32 $0xFFFFFFFD, s15  }
0x35: {  	s27 =	sand.u32 s19, s12;
	s16 =	simm.s32 @!p1 $0xFF;
	p1 =	sgt.s32 s15, $0x0  }
0x36: {  	s16 =	ssub.s32 s16, s17;
	s17 =	smov.u32 s12;
	s15 =	sshll.u32 s15, $0x7  }
0x37: {  	s18 =	sadd.s32 $0xFFFFFF01, s16;
	s17 =	simm.s32 @!p2 $0x20;
	s16 =	ssub.s32 $0x100, s16  }
0x38: {  	s15 =	ssub.s32 $0x80, s15;
	p2 =	sgt.s32 s18, $0x0;
	s17 =	ssub.s32 s17, s27  }
0x39: {  	s15 =	simm.s32 @p1 $0x0;
	s16 =	simm.s32 @p2 $0x0;
	s18 =	sadd.s32 $0xFFFFFFE0, s17  }
0x3a: {  	s17 =	ssub.s32 $0xA0, s17;
	p1 =	sgt.s32 s18, $0x7F;
	s15 =	smul.u32 s16, s15  }
0x3b: {  	s17 =	simm.s32 @p1 $0x0  }
0x3c: {  	s15 =	smul.u32 s17, s15;
	_ =	sdelay $0x1  }
0x3d: {  	s16 =	simm.s32 $0x1;
	s15 =	sand.u32 $0x3FFFFF80, s15  }
0x3e: {  	s16 =	simm.s32 @!p0 $0x0;
	_ =	swait.ge [sflag:s4], s15  }
0x3f: {  	s28 =	sshll.u32 s16, $0xE;
	s15 =	ssub.s32 $0x0, s15;
	[sflag:s4] =	ssyncset.done $0x0  }
0x40: {  	s29 =	sor.u32 $0x40, s28;
	[sflag:s4] =	ssyncadd.s32 s15  }
0x41: {  	s30 =	smul.u32 $0x10200, s16;
	v0 =	vld [tilespmem:s29+$0x30]  }
0x42: {  	v3 =	vld [tilespmem:s29+$0xFFFFFFD0]  }
0x43: {  	s15 =	sshrl.u32 s30, $0x2;
	v4 =	vld [tilespmem:s29+$0xFFFFFFE0]  }
0x44: {  	s16 =	sor.u32 $0x8000, s15;
	v5 =	vld [tilespmem:s29+$0xFFFFFFF0]  }
0x45: {  	s31 =	sand.u32 $0x1, s8;
	v1 =	vld [tilespmem:s29+$0x0];
	s17 =	sadd.s32 $0x0, s16  }
0x46: {  	s15 =	smul.u32 $0x10200, s31;
	v2 =	vld [tilespmem:s29+$0x10];
	[tilespmem:s17+$0x3870 ss:$0x81] =	vst.msk $0xffff, v0  }
0x47: {  	[tilespmem:s17+$0x810 ss:$0x81] =	vst.msk $0xffff, v3;
	v3 =	vld [tilespmem:s29+$0x20]  }
0x48: {  	s18 =	sadd.s32 $0x80, s29;
	s15 =	sshrl.u32 s15, $0x2;
	v0 =	vld [tilespmem:s29+$0xFFFFFFC0];
	[tilespmem:s17+$0x1020 ss:$0x81] =	vst.msk $0xffff, v4  }
0x49: {  	s20 =	simm.s32 $0x8;
	s19 =	simm.s32 $0x4;
	s15 =	sor.u32 $0x8000, s15;
	v4 =	vld [tilespmem:s18+$0x30];
	[tilespmem:s17+$0x1830 ss:$0x81] =	vst.msk $0xffff, v5  }
.LBB1_3:
0x4a: {  	p1 =	sne.s32 s20, $0x1FC;
	v5 =	vld [tilespmem:s18+$0xFFFFFFD0];
	[tilespmem:s17+$0x2040 ss:$0x81] =	vst.msk $0xffff, v1  }
0x4b: {  	v6 =	vld [tilespmem:s18+$0xFFFFFFE0];
	[tilespmem:s17+$0x2850 ss:$0x81] =	vst.msk $0xffff, v2  }
0x4c: {  	s21 =	sshra.s32 s19, $0x2;
	s19 =	smov.u32 s20;
	v7 =	vld [tilespmem:s18+$0xFFFFFFF0];
	[tilespmem:s17+$0x3060 ss:$0x81] =	vst.msk $0xffff, v3  }
.Ltmp3:
0x4d: {  	v1 =	vld [tilespmem:s18+$0x0];
	[tilespmem:s17+$0x0 ss:$0x81] =	vst.msk $0xffff, v0;
	s17 =	sadd.s32 s21, s16;
	(pc) =	sbr.rel @p1 .LBB1_3-.Ltmp3, $4  }
0x4e: {  	v2 =	vld [tilespmem:s18+$0x10];
	[tilespmem:s17+$0x3870 ss:$0x81] =	vst.msk $0xffff, v4  }
0x4f: {  	[tilespmem:s17+$0x810 ss:$0x81] =	vst.msk $0xffff, v5;
	v3 =	vld [tilespmem:s18+$0x20]  }
0x50: {  	v0 =	vld [tilespmem:s18+$0xFFFFFFC0];
	[tilespmem:s17+$0x1020 ss:$0x81] =	vst.msk $0xffff, v6;
	s18 =	sadd.s32 $0x80, s18  }
0x51: {  	s20 =	sadd.s32 $0x4, s20;
	v4 =	vld [tilespmem:s18+$0x30];
	[tilespmem:s17+$0x1830 ss:$0x81] =	vst.msk $0xffff, v7  }
0x52: {  	v5 =	vld [tilespmem:s18+$0xFFFFFFD0];
	[tilespmem:s17+$0x2040 ss:$0x81] =	vst.msk $0xffff, v1  }
0x53: {  	v58 =	vld [tilespmem:s18+$0xFFFFFFE0];
	[tilespmem:s17+$0x2850 ss:$0x81] =	vst.msk $0xffff, v2  }
0x54: {  	s19 =	sshra.s32 s19, $0x2;
	v59 =	vld [tilespmem:s18+$0xFFFFFFF0];
	[tilespmem:s17+$0x3060 ss:$0x81] =	vst.msk $0xffff, v3  }
0x55: {  	v60 =	vld [tilespmem:s18+$0x0];
	s16 =	sadd.s32 s19, s16;
	[tilespmem:s17+$0x0 ss:$0x81] =	vst.msk $0xffff, v0  }
0x56: {  	v61 =	vld [tilespmem:s18+$0x10];
	[tilespmem:s16+$0x3870 ss:$0x81] =	vst.msk $0xffff, v4  }
0x57: {  	v62 =	vld [tilespmem:s18+$0x20];
	[tilespmem:s16+$0x810 ss:$0x81] =	vst.msk $0xffff, v5  }
0x58: {  	v63 =	vld [tilespmem:s18+$0xFFFFFFC0];
	[tilespmem:s16+$0x1020 ss:$0x81] =	vst.msk $0xffff, v58  }
0x59: {  	s14 =	sshll.u32 s14, $0x14;
	s28 =	sand.u32 $0xF80, s12;
	[tilespmem:s16+$0x1830 ss:$0x81] =	vst.msk $0xffff, v59  }
.Ltmp4:
0x5a: {  	s13 =	sshll.u32 s13, $0xC;
	s14 =	sadd.s32 s3, s14;
	[tilespmem:s16+$0x2040 ss:$0x81] =	vst.msk $0xffff, v60;
	(pc) =	sbr.rel .LBB1_5-.Ltmp4, $4  }
0x5b: {  	s29 =	sshrl.u32 s12, $0x3;
	s30 =	sand.u32 $0x7, s12;
	s13 =	sadd.s32 s13, s14;
	[tilespmem:s16+$0x2850 ss:$0x81] =	vst.msk $0xffff, v61  }
0x5c: {  	s31 =	sand.u32 $0xF, s29;
	s12 =	sshll.u32 s30, $0x12;
	s13 =	sadd.s32 s28, s13;
	[tilespmem:s16+$0x3060 ss:$0x81] =	vst.msk $0xffff, v62  }
0x5d: {  	s12 =	sor.u32 $0x400, s12;
	s13 =	sadd.s32 s31, s13;
	[tilespmem:s16+$0x0 ss:$0x81] =	vst.msk $0xffff, v63  }
0x5e: {  	[hbm4b:s13+s12] =	stream.strided.scatter [tilespmem:s15], [sflag:$0x2], $0x4000, s7, s12, $0x20;
	[tilespmem:$0x10100] =	vst v63  }
.LBB1_6:
0x5f: {  	_ =	sfence.sel $0x180000  }
0x60: {  	s2 =	simm.s32 $0x1;
	[bflag:$0x0] =	sbarrier.arrive $0xFFFF  }
0x61: {  	s31 =	simm.s32 $0x2;
	[sflag:s2] =	ssyncpa.u1 $0x1  }
0x62: {  	[sflag:s31] =	ssyncpa.u1 $0x1  }
0x63: {  	p0 =	sne.s32 s1, $0x0;
	_ =	strace $0x90000047  }
0x64: {  	s0 =	sadd.s32 @!p0 $0x100000, s0;
	[bflag:$0x2] =	sbarrier.arrive $0xFFFF  }
0x65: {  	[sflag:s0] =	ssyncadd.tile.s32 @!p0 $0x1;
	_ =	shalt  }
.Lfunc_end1:
_tile_overlayer_lowered:
.L_overlay_start_2:
0x66: {  	(tag) =	ssettag $0x2  }
0x67: {  	s0 =	rddreg [dreg:$0x0];
	s2 =	stileid.u32  }
0x68: {  	s1 =	rddreg [dreg:$0x1];
	p0 =	sne.s32 s2, $0x0  }
0x69: {  	s3 =	rddreg [dreg:$0x2];
	[bflag:$0x3] =	sbarrier.arrive $0xFFFF;
	s2 =	simm.s32 @!p0 $0x1C01  }
0x6a: {  	[timem:s3], [sflag:s2] =	dma.local @!p0 [hbm:s0], s1  }
0x6b: {  	s0 =	simm.s32 @!p0 $0x1  }
0x6c: {  	_ =	swait.ge @!p0 [sflag:s0], s1  }
0x6d: {  	s1 =	ssub.s32 @!p0 $0x0, s1;
	[sflag:s0] =	ssyncset.done @!p0 $0x0  }
0x6e: {  	[sflag:s0] =	ssyncadd.s32 @!p0 s1  }
0x6f: {  	[bflag:$0x3] =	sbarrier.arrive $0xFFFF  }
0x70: {  	_ =	shalt  }

</sc_bundles>
